<compile_context>
chip_gen: v7x
topology: tpu7x:2x2x1
jax: 0.10.2.dev20260603
libtpu: 0.0.44.dev20260713+nightly
codegen_flags: <defaults>
</compile_context>

<pallas_src>
import functools

import jax
import jax.numpy as jnp
from jax import lax
from jax.experimental import pallas as pl
from jax.experimental.pallas import tpu as pltpu
from jax.experimental.pallas import tpu_sc as plsc

_N = 10000
_E = 320000
_D = 128
_NC = 2
_NS = 16
_NW = _NC * _NS
_EB = 128
_NBUF = 2
_NBLK = -(-_E // (_NW * _EB))
_NBLK = -(-_NBLK // _NBUF) * _NBUF
_EP = _NW * _EB * _NBLK
_TBLK = _NBLK + _NBUF
_STRIPE = 632
_AR = _STRIPE * _NS


def _sc_segment_sum(src_r, dst_r, x, zrows):
    mesh = plsc.VectorSubcoreMesh(core_axis_name="c", subcore_axis_name="s")

    @functools.partial(
        pl.kernel,
        mesh=mesh,
        out_type=jax.ShapeDtypeStruct((_NC, _AR, _D), jnp.float32),
        scratch_types=[
            [pltpu.VMEM((1, _EB), jnp.int32)] * 2,
            [pltpu.VMEM((1, _EB), jnp.int32)] * 2,
            [pltpu.VMEM((_EB, _D), jnp.float32)] * 2,
            pltpu.VMEM_SHARED((_AR, _D), jnp.float32),
            [pltpu.SemaphoreType.DMA] * 2,
        ],
    )
    def k(src_hbm, dst_hbm, x_hbm, z_hbm, out_hbm, sidxs, didxs, rows, acc,
          gsems):
        cid = lax.axis_index("c")
        sid = lax.axis_index("s")
        wid = cid * _NS + sid
        pltpu.sync_copy(src_hbm.at[wid, pl.ds(0, 1)], sidxs[0])
        pltpu.sync_copy(dst_hbm.at[wid, pl.ds(0, 1)], didxs[0])
        pltpu.async_copy(x_hbm.at[sidxs[0].at[0]], rows[0], gsems[0])
        pltpu.sync_copy(z_hbm, acc.at[pl.ds(sid * _STRIPE, _STRIPE)])
        plsc.subcore_barrier()

        def body(i, carry):
            for b in (0, 1):
                blk = 2 * i + b
                nb = b ^ 1
                pltpu.sync_copy(src_hbm.at[wid, pl.ds(blk + 1, 1)], sidxs[nb])
                pltpu.sync_copy(dst_hbm.at[wid, pl.ds(blk + 1, 1)], didxs[nb])
                pltpu.async_copy(x_hbm.at[sidxs[nb].at[0]], rows[nb],
                                 gsems[nb])
                pltpu.make_async_copy(
                    x_hbm.at[sidxs[b].at[0]], rows[b], gsems[b]).wait()
                pltpu.sync_copy(rows[b], acc.at[didxs[b].at[0]], add=True)
            return carry

        lax.fori_loop(0, _NBLK // 2, body, 0)
        pltpu.make_async_copy(
            x_hbm.at[sidxs[0].at[0]], rows[0], gsems[0]).wait()
        plsc.subcore_barrier()
        pltpu.sync_copy(acc.at[pl.ds(sid * _STRIPE, _STRIPE)],
                        out_hbm.at[cid, pl.ds(sid * _STRIPE, _STRIPE)])

    return k(src_r, dst_r, x, zrows)


_BLK = 1000


def _dense_body(x_ref, p_ref, ws_ref, wn_ref, b_ref, o_ref):
    agg = p_ref[0] + p_ref[1]
    acc = jnp.dot(x_ref[...], ws_ref[...], preferred_element_type=jnp.float32)
    acc = acc + jnp.dot(agg, wn_ref[...], preferred_element_type=jnp.float32)
    o_ref[...] = jnp.maximum(acc + b_ref[...], 0.0)


def _dense_res_body(x_ref, p_ref, ws_ref, wn_ref, b_ref, r_ref, o_ref):
    agg = p_ref[0] + p_ref[1]
    acc = jnp.dot(x_ref[...], ws_ref[...], preferred_element_type=jnp.float32)
    acc = acc + jnp.dot(agg, wn_ref[...], preferred_element_type=jnp.float32)
    o_ref[...] = jnp.maximum(acc + b_ref[...] + r_ref[...], 0.0)


def _dense(x, parts, Ws, Wn, b, res=None):
    nblk = _N // _BLK
    specs = [
        pl.BlockSpec((_BLK, _D), lambda i: (i, 0)),
        pl.BlockSpec((_NC, _BLK, _D), lambda i: (0, i, 0)),
        pl.BlockSpec((_D, _D), lambda i: (0, 0)),
        pl.BlockSpec((_D, _D), lambda i: (0, 0)),
        pl.BlockSpec((1, _D), lambda i: (0, 0)),
    ]
    args = [x, parts, Ws, Wn, b.reshape(1, _D)]
    body = _dense_body
    if res is not None:
        specs.append(pl.BlockSpec((_BLK, _D), lambda i: (i, 0)))
        args.append(res)
        body = _dense_res_body
    return pl.pallas_call(
        body,
        grid=(nblk,),
        in_specs=specs,
        out_specs=pl.BlockSpec((_BLK, _D), lambda i: (i, 0)),
        out_shape=jax.ShapeDtypeStruct((_N, _D), jnp.float32),
    )(*args)


def kernel(features, edges, W_self, W_neigh, bias):
    src = edges[0].astype(jnp.int32)
    dst = edges[1].astype(jnp.int32)
    pad = _EP - _E
    srcp = jnp.concatenate([src, jnp.zeros((pad,), jnp.int32)]).reshape(
        _NW, _NBLK, _EB)
    srcp = jnp.concatenate(
        [srcp, jnp.zeros((_NW, _NBUF, _EB), jnp.int32)], axis=1)
    dstp = jnp.concatenate([dst, jnp.full((pad,), _N, jnp.int32)]).reshape(
        _NW, _NBLK, _EB)
    dstp = jnp.concatenate(
        [dstp, jnp.full((_NW, _NBUF, _EB), _N, jnp.int32)], axis=1)
    zrows = jnp.zeros((_STRIPE, _D), jnp.float32)
    h = features
    for i in range(3):
        parts = _sc_segment_sum(srcp, dstp, h, zrows)
        h = _dense(h, parts, W_self[i], W_neigh[i], bias[i],
                   features if i == 2 else None)
    return h

# --- scband reference (transcript-rebuilt; emitter-appended) ---
"""Pipeline reference for scband-features2-features-residual-83330955477056 (READ-ONLY COPY).

The authoritative reference and input builder live on the scoring server;
editing this copy changes nothing except your own understanding.
"""

import jax, jax.numpy as jnp
import numpy as np

N_NODES = 10000
N_EDGES = 320000
D = 128
HIDDEN = 2  # hidden_layer_count
N_CONVS = 1 + HIDDEN  # gconv_first + hidden convs


def graph_conv(x, src, dst, W_self, W_neigh, b, n_nodes):
    # PyG-style GraphConv: out_i = x_i @ W_self + sum_{j in N(i)} x_j @ W_neigh + b
    self_term = x @ W_self
    msgs = jnp.take(x, src, axis=0) @ W_neigh
    agg = jax.ops.segment_sum(msgs, dst, num_segments=n_nodes)
    return self_term + agg + b


def setup_inputs(seed: int = 0) -> dict:
    key = jax.random.key(seed)
    ks = jax.random.split(key, 6)
    features = jax.random.normal(ks[0], (N_NODES, D), dtype=jnp.float32)
    edges = jax.random.randint(ks[1], (2, N_EDGES), 0, N_NODES)
    scale = 1.0 / np.sqrt(D)
    W_self = jax.random.normal(ks[2], (N_CONVS, D, D), dtype=jnp.float32) * scale
    W_neigh = jax.random.normal(ks[3], (N_CONVS, D, D), dtype=jnp.float32) * scale
    bias = jax.random.normal(ks[4], (N_CONVS, D), dtype=jnp.float32) * 0.01
    return {"features": features, "edges": edges, "W_self": W_self, "W_neigh": W_neigh, "bias": bias}


def reference(features, edges, W_self, W_neigh, bias):
    src = edges[0]
    dst = edges[1]
    # in_features == out_features, so residual is identity (no interpolate branch)
    res = features
    # first conv (bn is IdLayer since batch_norm=False)
    h = jax.nn.relu(graph_conv(features, src, dst, W_self[0], W_neigh[0], bias[0], N_NODES))
    # hidden convs
    for i in range(1, HIDDEN + 1):
        out = graph_conv(h, src, dst, W_self[i], W_neigh[i], bias[i], N_NODES)
        if i == HIDDEN:
            h = jax.nn.relu(out + res)
        else:
            h = jax.nn.relu(out)
    return h

if __name__ == "__main__":
    import jax
    _d = setup_inputs()
    print(jax.jit(kernel)(*tuple(_d.values())))

</pallas_src>

<mosaic_0001>
#map = affine_map<(d0, d1) -> (0, 0, 0)>
#map1 = affine_map<(d0, d1) -> (0, 0)>
module attributes {stable_mosaic.version = 14 : i64} {
  func.func @k(%arg0: i32, %arg1: i32, %arg2: memref<32x82x128xi32, #tpu.memory_space<hbm>>, %arg3: memref<32x82x128xi32, #tpu.memory_space<hbm>>, %arg4: memref<10000x128xf32, #tpu.memory_space<hbm>>, %arg5: memref<632x128xf32, #tpu.memory_space<hbm>>, %arg6: memref<2x10112x128xf32, #tpu.memory_space<hbm>>, %arg7: memref<1x128xi32, #tpu.memory_space<vmem>>, %arg8: memref<1x128xi32, #tpu.memory_space<vmem>>, %arg9: memref<1x128xi32, #tpu.memory_space<vmem>>, %arg10: memref<1x128xi32, #tpu.memory_space<vmem>>, %arg11: memref<128x128xf32, #tpu.memory_space<vmem>>, %arg12: memref<128x128xf32, #tpu.memory_space<vmem>>, %arg13: memref<10112x128xf32, #tpu.memory_space<vmem_shared>>, %arg14: memref<!tpu.dma_semaphore, #tpu.memory_space<semaphore_mem>>, %arg15: memref<!tpu.dma_semaphore, #tpu.memory_space<semaphore_mem>>) attributes {dimension_semantics = [#tpu.dimension_semantics<core_parallel>, #tpu.dimension_semantics<subcore_parallel>], iteration_bounds = array<i64: 2, 16>, scalar_prefetch = 0 : i64, scratch_operands = 9 : i64, tpu.core_type = #tpu.core_type<sc_vector_subcore>, window_params = [{transform_indices = #map}, {transform_indices = #map}, {transform_indices = #map1}, {transform_indices = #map1}, {transform_indices = #map}]} {
    %mul3A = arith.constant 16 : i32
    %mul3A_0 = arith.muli %arg0, %mul3A : i32
    %add3A = arith.addi %mul3A_0, %arg1 : i32
    "tpu.region"() ({
      %run_scoped3A = tpu.sem_alloc : memref<!tpu.dma_semaphore, #tpu.memory_space<semaphore_mem>>
      %dma_start3A_25 = arith.constant 0 : i32
      %dma_start3A_26 = arith.constant 0 : i32
      %dma_start3A_27 = tpu.memref_slice %arg2[%add3A, %dma_start3A_25, %dma_start3A_26] : memref<32x82x128xi32, #tpu.memory_space<hbm>> -> memref<1x1x128xi32, #tpu.memory_space<hbm>>
      %dma_start3A_28 = tpu.memref_squeeze %dma_start3A_27 : memref<1x1x128xi32, #tpu.memory_space<hbm>> -> memref<1x128xi32, #tpu.memory_space<hbm>>
      %dma_start3A_29 = arith.constant 0 : i32
      %dma_start3A_30 = arith.constant 0 : i32
      %dma_start3A_31 = tpu.memref_slice %arg2[%add3A, %dma_start3A_29, %dma_start3A_30] : memref<32x82x128xi32, #tpu.memory_space<hbm>> -> memref<1x1x128xi32, #tpu.memory_space<hbm>>
      %dma_start3A_32 = tpu.memref_squeeze %dma_start3A_31 : memref<1x1x128xi32, #tpu.memory_space<hbm>> -> memref<1x128xi32, #tpu.memory_space<hbm>>
      tpu.enqueue_dma source(%dma_start3A_32 : memref<1x128xi32, #tpu.memory_space<hbm>>) target(%arg7 : memref<1x128xi32, #tpu.memory_space<vmem>>) target_semaphore(%run_scoped3A : memref<!tpu.dma_semaphore, #tpu.memory_space<semaphore_mem>>)
      %dma_wait3A_33 = arith.constant 0 : i32
      %dma_wait3A_34 = arith.constant 0 : i32
      %dma_wait3A_35 = tpu.memref_slice %arg2[%add3A, %dma_wait3A_33, %dma_wait3A_34] : memref<32x82x128xi32, #tpu.memory_space<hbm>> -> memref<1x1x128xi32, #tpu.memory_space<hbm>>
      %dma_wait3A_36 = tpu.memref_squeeze %dma_wait3A_35 : memref<1x1x128xi32, #tpu.memory_space<hbm>> -> memref<1x128xi32, #tpu.memory_space<hbm>>
      %dma_wait3A_37 = arith.constant 0 : i32
      %dma_wait3A_38 = arith.constant 0 : i32
      %dma_wait3A_39 = tpu.memref_slice %arg2[%add3A, %dma_wait3A_37, %dma_wait3A_38] : memref<32x82x128xi32, #tpu.memory_space<hbm>> -> memref<1x1x128xi32, #tpu.memory_space<hbm>>
      %dma_wait3A_40 = tpu.memref_squeeze %dma_wait3A_39 : memref<1x1x128xi32, #tpu.memory_space<hbm>> -> memref<1x128xi32, #tpu.memory_space<hbm>>
      tpu.wait_dma2 semaphore(%run_scoped3A : memref<!tpu.dma_semaphore, #tpu.memory_space<semaphore_mem>>) src(%dma_wait3A_40 : memref<1x128xi32, #tpu.memory_space<hbm>>) dst(%arg7 : memref<1x128xi32, #tpu.memory_space<vmem>>)
      tpu.yield
    }) : () -> ()
    "tpu.region"() ({
      %run_scoped3A = tpu.sem_alloc : memref<!tpu.dma_semaphore, #tpu.memory_space<semaphore_mem>>
      %dma_start3A_25 = arith.constant 0 : i32
      %dma_start3A_26 = arith.constant 0 : i32
      %dma_start3A_27 = tpu.memref_slice %arg3[%add3A, %dma_start3A_25, %dma_start3A_26] : memref<32x82x128xi32, #tpu.memory_space<hbm>> -> memref<1x1x128xi32, #tpu.memory_space<hbm>>
      %dma_start3A_28 = tpu.memref_squeeze %dma_start3A_27 : memref<1x1x128xi32, #tpu.memory_space<hbm>> -> memref<1x128xi32, #tpu.memory_space<hbm>>
      %dma_start3A_29 = arith.constant 0 : i32
      %dma_start3A_30 = arith.constant 0 : i32
      %dma_start3A_31 = tpu.memref_slice %arg3[%add3A, %dma_start3A_29, %dma_start3A_30] : memref<32x82x128xi32, #tpu.memory_space<hbm>> -> memref<1x1x128xi32, #tpu.memory_space<hbm>>
      %dma_start3A_32 = tpu.memref_squeeze %dma_start3A_31 : memref<1x1x128xi32, #tpu.memory_space<hbm>> -> memref<1x128xi32, #tpu.memory_space<hbm>>
      tpu.enqueue_dma source(%dma_start3A_32 : memref<1x128xi32, #tpu.memory_space<hbm>>) target(%arg9 : memref<1x128xi32, #tpu.memory_space<vmem>>) target_semaphore(%run_scoped3A : memref<!tpu.dma_semaphore, #tpu.memory_space<semaphore_mem>>)
      %dma_wait3A_33 = arith.constant 0 : i32
      %dma_wait3A_34 = arith.constant 0 : i32
      %dma_wait3A_35 = tpu.memref_slice %arg3[%add3A, %dma_wait3A_33, %dma_wait3A_34] : memref<32x82x128xi32, #tpu.memory_space<hbm>> -> memref<1x1x128xi32, #tpu.memory_space<hbm>>
      %dma_wait3A_36 = tpu.memref_squeeze %dma_wait3A_35 : memref<1x1x128xi32, #tpu.memory_space<hbm>> -> memref<1x128xi32, #tpu.memory_space<hbm>>
      %dma_wait3A_37 = arith.constant 0 : i32
      %dma_wait3A_38 = arith.constant 0 : i32
      %dma_wait3A_39 = tpu.memref_slice %arg3[%add3A, %dma_wait3A_37, %dma_wait3A_38] : memref<32x82x128xi32, #tpu.memory_space<hbm>> -> memref<1x1x128xi32, #tpu.memory_space<hbm>>
      %dma_wait3A_40 = tpu.memref_squeeze %dma_wait3A_39 : memref<1x1x128xi32, #tpu.memory_space<hbm>> -> memref<1x128xi32, #tpu.memory_space<hbm>>
      tpu.wait_dma2 semaphore(%run_scoped3A : memref<!tpu.dma_semaphore, #tpu.memory_space<semaphore_mem>>) src(%dma_wait3A_40 : memref<1x128xi32, #tpu.memory_space<hbm>>) dst(%arg9 : memref<1x128xi32, #tpu.memory_space<vmem>>)
      tpu.yield
    }) : () -> ()
    %dma_start3A = arith.constant 0 : i32
    %dma_start3A_1 = arith.constant 0 : i32
    %dma_start3A_2 = tpu.memref_slice %arg7[%dma_start3A, %dma_start3A_1] : memref<1x128xi32, #tpu.memory_space<vmem>> -> memref<1x128xi32, #tpu.memory_space<vmem>>
    %dma_start3A_3 = tpu.memref_squeeze %dma_start3A_2 : memref<1x128xi32, #tpu.memory_space<vmem>> -> memref<128xi32, #tpu.memory_space<vmem>>
    %dma_start3A_4 = arith.constant 0 : i32
    %dma_start3A_5 = arith.constant 0 : i32
    %dma_start3A_6 = tpu.memref_slice %arg4[%dma_start3A_4, %dma_start3A_5] : memref<10000x128xf32, #tpu.memory_space<hbm>> -> memref<10000x128xf32, #tpu.memory_space<hbm>>
    tpu.enqueue_indirect_dma source(%dma_start3A_6 : memref<10000x128xf32, #tpu.memory_space<hbm>>) target(%arg11 : memref<128x128xf32, #tpu.memory_space<vmem>>) offsets(%dma_start3A_3 : memref<128xi32, #tpu.memory_space<vmem>>) semaphore(%arg14 : memref<!tpu.dma_semaphore, #tpu.memory_space<semaphore_mem>>)
    %mul3A_7 = arith.constant 632 : i32
    %mul3A_8 = arith.muli %arg1, %mul3A_7 : i32
    "tpu.region"() ({
      %run_scoped3A = tpu.sem_alloc : memref<!tpu.dma_semaphore, #tpu.memory_space<semaphore_mem>>
      %dma_start3A_25 = arith.constant 0 : i32
      %dma_start3A_26 = tpu.memref_slice %arg13[%mul3A_8, %dma_start3A_25] : memref<10112x128xf32, #tpu.memory_space<vmem_shared>> -> memref<632x128xf32, #tpu.memory_space<vmem_shared>>
      tpu.enqueue_dma source(%arg5 : memref<632x128xf32, #tpu.memory_space<hbm>>) target(%dma_start3A_26 : memref<632x128xf32, #tpu.memory_space<vmem_shared>>) target_semaphore(%run_scoped3A : memref<!tpu.dma_semaphore, #tpu.memory_space<semaphore_mem>>)
      %dma_wait3A_27 = arith.constant 0 : i32
      %dma_wait3A_28 = tpu.memref_slice %arg13[%mul3A_8, %dma_wait3A_27] : memref<10112x128xf32, #tpu.memory_space<vmem_shared>> -> memref<632x128xf32, #tpu.memory_space<vmem_shared>>
      tpu.wait_dma2 semaphore(%run_scoped3A : memref<!tpu.dma_semaphore, #tpu.memory_space<semaphore_mem>>) src(%arg5 : memref<632x128xf32, #tpu.memory_space<hbm>>) dst(%dma_wait3A_28 : memref<632x128xf32, #tpu.memory_space<vmem_shared>>)
      tpu.yield
    }) : () -> ()
    %barrier3A = arith.constant 0 : index
    tpu.barrier barrier_id(%barrier3A)
    %scan3A = arith.constant 0 : i32
    %scan3A_9 = arith.constant 0 : i32
    %scan3A_10 = arith.constant 40 : i32
    %scan3A_11 = arith.addi %scan3A_9, %scan3A_10 : i32
    %scan3A_12 = arith.constant 1 : i32
    scf.for %scan3A_25 = %scan3A_9 to %scan3A_11 step %scan3A_12  : i32 {
      %mul3A_26 = arith.constant 2 : i32
      %mul3A_27 = arith.muli %mul3A_26, %scan3A_25 : i32
      %add3A_28 = arith.constant 0 : i32
      %add3A_29 = arith.addi %mul3A_27, %add3A_28 : i32
      %add3A_30 = arith.constant 1 : i32
      %add3A_31 = arith.addi %add3A_29, %add3A_30 : i32
      "tpu.region"() ({
        %run_scoped3A_71 = tpu.sem_alloc : memref<!tpu.dma_semaphore, #tpu.memory_space<semaphore_mem>>
        %dma_start3A_72 = arith.constant 0 : i32
        %dma_start3A_73 = tpu.memref_slice %arg2[%add3A, %add3A_31, %dma_start3A_72] : memref<32x82x128xi32, #tpu.memory_space<hbm>> -> memref<1x1x128xi32, #tpu.memory_space<hbm>>
        %dma_start3A_74 = tpu.memref_squeeze %dma_start3A_73 : memref<1x1x128xi32, #tpu.memory_space<hbm>> -> memref<1x128xi32, #tpu.memory_space<hbm>>
        %dma_start3A_75 = arith.constant 0 : i32
        %dma_start3A_76 = tpu.memref_slice %arg2[%add3A, %add3A_31, %dma_start3A_75] : memref<32x82x128xi32, #tpu.memory_space<hbm>> -> memref<1x1x128xi32, #tpu.memory_space<hbm>>
        %dma_start3A_77 = tpu.memref_squeeze %dma_start3A_76 : memref<1x1x128xi32, #tpu.memory_space<hbm>> -> memref<1x128xi32, #tpu.memory_space<hbm>>
        tpu.enqueue_dma source(%dma_start3A_77 : memref<1x128xi32, #tpu.memory_space<hbm>>) target(%arg8 : memref<1x128xi32, #tpu.memory_space<vmem>>) target_semaphore(%run_scoped3A_71 : memref<!tpu.dma_semaphore, #tpu.memory_space<semaphore_mem>>)
        %dma_wait3A_78 = arith.constant 0 : i32
        %dma_wait3A_79 = tpu.memref_slice %arg2[%add3A, %add3A_31, %dma_wait3A_78] : memref<32x82x128xi32, #tpu.memory_space<hbm>> -> memref<1x1x128xi32, #tpu.memory_space<hbm>>
        %dma_wait3A_80 = tpu.memref_squeeze %dma_wait3A_79 : memref<1x1x128xi32, #tpu.memory_space<hbm>> -> memref<1x128xi32, #tpu.memory_space<hbm>>
        %dma_wait3A_81 = arith.constant 0 : i32
        %dma_wait3A_82 = tpu.memref_slice %arg2[%add3A, %add3A_31, %dma_wait3A_81] : memref<32x82x128xi32, #tpu.memory_space<hbm>> -> memref<1x1x128xi32, #tpu.memory_space<hbm>>
        %dma_wait3A_83 = tpu.memref_squeeze %dma_wait3A_82 : memref<1x1x128xi32, #tpu.memory_space<hbm>> -> memref<1x128xi32, #tpu.memory_space<hbm>>
        tpu.wait_dma2 semaphore(%run_scoped3A_71 : memref<!tpu.dma_semaphore, #tpu.memory_space<semaphore_mem>>) src(%dma_wait3A_83 : memref<1x128xi32, #tpu.memory_space<hbm>>) dst(%arg8 : memref<1x128xi32, #tpu.memory_space<vmem>>)
        tpu.yield
      }) : () -> ()
      %add3A_32 = arith.constant 1 : i32
      %add3A_33 = arith.addi %add3A_29, %add3A_32 : i32
      "tpu.region"() ({
        %run_scoped3A_71 = tpu.sem_alloc : memref<!tpu.dma_semaphore, #tpu.memory_space<semaphore_mem>>
        %dma_start3A_72 = arith.constant 0 : i32
        %dma_start3A_73 = tpu.memref_slice %arg3[%add3A, %add3A_33, %dma_start3A_72] : memref<32x82x128xi32, #tpu.memory_space<hbm>> -> memref<1x1x128xi32, #tpu.memory_space<hbm>>
        %dma_start3A_74 = tpu.memref_squeeze %dma_start3A_73 : memref<1x1x128xi32, #tpu.memory_space<hbm>> -> memref<1x128xi32, #tpu.memory_space<hbm>>
        %dma_start3A_75 = arith.constant 0 : i32
        %dma_start3A_76 = tpu.memref_slice %arg3[%add3A, %add3A_33, %dma_start3A_75] : memref<32x82x128xi32, #tpu.memory_space<hbm>> -> memref<1x1x128xi32, #tpu.memory_space<hbm>>
        %dma_start3A_77 = tpu.memref_squeeze %dma_start3A_76 : memref<1x1x128xi32, #tpu.memory_space<hbm>> -> memref<1x128xi32, #tpu.memory_space<hbm>>
        tpu.enqueue_dma source(%dma_start3A_77 : memref<1x128xi32, #tpu.memory_space<hbm>>) target(%arg10 : memref<1x128xi32, #tpu.memory_space<vmem>>) target_semaphore(%run_scoped3A_71 : memref<!tpu.dma_semaphore, #tpu.memory_space<semaphore_mem>>)
        %dma_wait3A_78 = arith.constant 0 : i32
        %dma_wait3A_79 = tpu.memref_slice %arg3[%add3A, %add3A_33, %dma_wait3A_78] : memref<32x82x128xi32, #tpu.memory_space<hbm>> -> memref<1x1x128xi32, #tpu.memory_space<hbm>>
        %dma_wait3A_80 = tpu.memref_squeeze %dma_wait3A_79 : memref<1x1x128xi32, #tpu.memory_space<hbm>> -> memref<1x128xi32, #tpu.memory_space<hbm>>
        %dma_wait3A_81 = arith.constant 0 : i32
        %dma_wait3A_82 = tpu.memref_slice %arg3[%add3A, %add3A_33, %dma_wait3A_81] : memref<32x82x128xi32, #tpu.memory_space<hbm>> -> memref<1x1x128xi32, #tpu.memory_space<hbm>>
        %dma_wait3A_83 = tpu.memref_squeeze %dma_wait3A_82 : memref<1x1x128xi32, #tpu.memory_space<hbm>> -> memref<1x128xi32, #tpu.memory_space<hbm>>
        tpu.wait_dma2 semaphore(%run_scoped3A_71 : memref<!tpu.dma_semaphore, #tpu.memory_space<semaphore_mem>>) src(%dma_wait3A_83 : memref<1x128xi32, #tpu.memory_space<hbm>>) dst(%arg10 : memref<1x128xi32, #tpu.memory_space<vmem>>)
        tpu.yield
      }) : () -> ()
      %dma_start3A_34 = arith.constant 0 : i32
      %dma_start3A_35 = arith.constant 0 : i32
      %dma_start3A_36 = tpu.memref_slice %arg8[%dma_start3A_34, %dma_start3A_35] : memref<1x128xi32, #tpu.memory_space<vmem>> -> memref<1x128xi32, #tpu.memory_space<vmem>>
      %dma_start3A_37 = tpu.memref_squeeze %dma_start3A_36 : memref<1x128xi32, #tpu.memory_space<vmem>> -> memref<128xi32, #tpu.memory_space<vmem>>
      %dma_start3A_38 = arith.constant 0 : i32
      %dma_start3A_39 = arith.constant 0 : i32
      %dma_start3A_40 = tpu.memref_slice %arg4[%dma_start3A_38, %dma_start3A_39] : memref<10000x128xf32, #tpu.memory_space<hbm>> -> memref<10000x128xf32, #tpu.memory_space<hbm>>
      tpu.enqueue_indirect_dma source(%dma_start3A_40 : memref<10000x128xf32, #tpu.memory_space<hbm>>) target(%arg12 : memref<128x128xf32, #tpu.memory_space<vmem>>) offsets(%dma_start3A_37 : memref<128xi32, #tpu.memory_space<vmem>>) semaphore(%arg15 : memref<!tpu.dma_semaphore, #tpu.memory_space<semaphore_mem>>)
      %dma_wait3A_41 = arith.constant 0 : i32
      %dma_wait3A_42 = arith.constant 0 : i32
      %dma_wait3A_43 = tpu.memref_slice %arg7[%dma_wait3A_41, %dma_wait3A_42] : memref<1x128xi32, #tpu.memory_space<vmem>> -> memref<1x128xi32, #tpu.memory_space<vmem>>
      %dma_wait3A_44 = tpu.memref_squeeze %dma_wait3A_43 : memref<1x128xi32, #tpu.memory_space<vmem>> -> memref<128xi32, #tpu.memory_space<vmem>>
      %dma_wait3A_45 = arith.constant 0 : i32
      %dma_wait3A_46 = arith.constant 0 : i32
      %dma_wait3A_47 = tpu.memref_slice %arg4[%dma_wait3A_45, %dma_wait3A_46] : memref<10000x128xf32, #tpu.memory_space<hbm>> -> memref<10000x128xf32, #tpu.memory_space<hbm>>
      tpu.wait_indirect_dma semaphore(%arg14 : memref<!tpu.dma_semaphore, #tpu.memory_space<semaphore_mem>>) src(%dma_wait3A_47 : memref<10000x128xf32, #tpu.memory_space<hbm>>) dst(%arg11 : memref<128x128xf32, #tpu.memory_space<vmem>>)
      %run_scoped3A = arith.constant 0 : i32
      "tpu.region"() ({
        %run_scoped3A_71 = tpu.sem_alloc : memref<!tpu.dma_semaphore, #tpu.memory_space<semaphore_mem>>
        %dma_start3A_72 = arith.constant 0 : i32
        %dma_start3A_73 = tpu.memref_slice %arg9[%run_scoped3A, %dma_start3A_72] : memref<1x128xi32, #tpu.memory_space<vmem>> -> memref<1x128xi32, #tpu.memory_space<vmem>>
        %dma_start3A_74 = tpu.memref_squeeze %dma_start3A_73 : memref<1x128xi32, #tpu.memory_space<vmem>> -> memref<128xi32, #tpu.memory_space<vmem>>
        %dma_start3A_75 = arith.constant 0 : i32
        %dma_start3A_76 = arith.constant 0 : i32
        %dma_start3A_77 = tpu.memref_slice %arg13[%dma_start3A_75, %dma_start3A_76] : memref<10112x128xf32, #tpu.memory_space<vmem_shared>> -> memref<10112x128xf32, #tpu.memory_space<vmem_shared>>
        tpu.enqueue_indirect_dma source(%arg11 : memref<128x128xf32, #tpu.memory_space<vmem>>) target(%dma_start3A_77 : memref<10112x128xf32, #tpu.memory_space<vmem_shared>>) offsets(%dma_start3A_74 : memref<128xi32, #tpu.memory_space<vmem>>) semaphore(%run_scoped3A_71 : memref<!tpu.dma_semaphore, #tpu.memory_space<semaphore_mem>>) {add = true}
        %dma_wait3A_78 = arith.constant 0 : i32
        %dma_wait3A_79 = tpu.memref_slice %arg9[%run_scoped3A, %dma_wait3A_78] : memref<1x128xi32, #tpu.memory_space<vmem>> -> memref<1x128xi32, #tpu.memory_space<vmem>>
        %dma_wait3A_80 = tpu.memref_squeeze %dma_wait3A_79 : memref<1x128xi32, #tpu.memory_space<vmem>> -> memref<128xi32, #tpu.memory_space<vmem>>
        %dma_wait3A_81 = arith.constant 0 : i32
        %dma_wait3A_82 = arith.constant 0 : i32
        %dma_wait3A_83 = tpu.memref_slice %arg13[%dma_wait3A_81, %dma_wait3A_82] : memref<10112x128xf32, #tpu.memory_space<vmem_shared>> -> memref<10112x128xf32, #tpu.memory_space<vmem_shared>>
        tpu.wait_indirect_dma semaphore(%run_scoped3A_71 : memref<!tpu.dma_semaphore, #tpu.memory_space<semaphore_mem>>) src(%arg11 : memref<128x128xf32, #tpu.memory_space<vmem>>) dst(%dma_wait3A_83 : memref<10112x128xf32, #tpu.memory_space<vmem_shared>>)
        tpu.yield
      }) : () -> ()
      %mul3A_48 = arith.constant 2 : i32
      %mul3A_49 = arith.muli %mul3A_48, %scan3A_25 : i32
      %add3A_50 = arith.constant 1 : i32
      %add3A_51 = arith.addi %mul3A_49, %add3A_50 : i32
      %add3A_52 = arith.constant 1 : i32
      %add3A_53 = arith.addi %add3A_51, %add3A_52 : i32
      "tpu.region"() ({
        %run_scoped3A_71 = tpu.sem_alloc : memref<!tpu.dma_semaphore, #tpu.memory_space<semaphore_mem>>
        %dma_start3A_72 = arith.constant 0 : i32
        %dma_start3A_73 = tpu.memref_slice %arg2[%add3A, %add3A_53, %dma_start3A_72] : memref<32x82x128xi32, #tpu.memory_space<hbm>> -> memref<1x1x128xi32, #tpu.memory_space<hbm>>
        %dma_start3A_74 = tpu.memref_squeeze %dma_start3A_73 : memref<1x1x128xi32, #tpu.memory_space<hbm>> -> memref<1x128xi32, #tpu.memory_space<hbm>>
        %dma_start3A_75 = arith.constant 0 : i32
        %dma_start3A_76 = tpu.memref_slice %arg2[%add3A, %add3A_53, %dma_start3A_75] : memref<32x82x128xi32, #tpu.memory_space<hbm>> -> memref<1x1x128xi32, #tpu.memory_space<hbm>>
        %dma_start3A_77 = tpu.memref_squeeze %dma_start3A_76 : memref<1x1x128xi32, #tpu.memory_space<hbm>> -> memref<1x128xi32, #tpu.memory_space<hbm>>
        tpu.enqueue_dma source(%dma_start3A_77 : memref<1x128xi32, #tpu.memory_space<hbm>>) target(%arg7 : memref<1x128xi32, #tpu.memory_space<vmem>>) target_semaphore(%run_scoped3A_71 : memref<!tpu.dma_semaphore, #tpu.memory_space<semaphore_mem>>)
        %dma_wait3A_78 = arith.constant 0 : i32
        %dma_wait3A_79 = tpu.memref_slice %arg2[%add3A, %add3A_53, %dma_wait3A_78] : memref<32x82x128xi32, #tpu.memory_space<hbm>> -> memref<1x1x128xi32, #tpu.memory_space<hbm>>
        %dma_wait3A_80 = tpu.memref_squeeze %dma_wait3A_79 : memref<1x1x128xi32, #tpu.memory_space<hbm>> -> memref<1x128xi32, #tpu.memory_space<hbm>>
        %dma_wait3A_81 = arith.constant 0 : i32
        %dma_wait3A_82 = tpu.memref_slice %arg2[%add3A, %add3A_53, %dma_wait3A_81] : memref<32x82x128xi32, #tpu.memory_space<hbm>> -> memref<1x1x128xi32, #tpu.memory_space<hbm>>
        %dma_wait3A_83 = tpu.memref_squeeze %dma_wait3A_82 : memref<1x1x128xi32, #tpu.memory_space<hbm>> -> memref<1x128xi32, #tpu.memory_space<hbm>>
        tpu.wait_dma2 semaphore(%run_scoped3A_71 : memref<!tpu.dma_semaphore, #tpu.memory_space<semaphore_mem>>) src(%dma_wait3A_83 : memref<1x128xi32, #tpu.memory_space<hbm>>) dst(%arg7 : memref<1x128xi32, #tpu.memory_space<vmem>>)
        tpu.yield
      }) : () -> ()
      %add3A_54 = arith.constant 1 : i32
      %add3A_55 = arith.addi %add3A_51, %add3A_54 : i32
      "tpu.region"() ({
        %run_scoped3A_71 = tpu.sem_alloc : memref<!tpu.dma_semaphore, #tpu.memory_space<semaphore_mem>>
        %dma_start3A_72 = arith.constant 0 : i32
        %dma_start3A_73 = tpu.memref_slice %arg3[%add3A, %add3A_55, %dma_start3A_72] : memref<32x82x128xi32, #tpu.memory_space<hbm>> -> memref<1x1x128xi32, #tpu.memory_space<hbm>>
        %dma_start3A_74 = tpu.memref_squeeze %dma_start3A_73 : memref<1x1x128xi32, #tpu.memory_space<hbm>> -> memref<1x128xi32, #tpu.memory_space<hbm>>
        %dma_start3A_75 = arith.constant 0 : i32
        %dma_start3A_76 = tpu.memref_slice %arg3[%add3A, %add3A_55, %dma_start3A_75] : memref<32x82x128xi32, #tpu.memory_space<hbm>> -> memref<1x1x128xi32, #tpu.memory_space<hbm>>
        %dma_start3A_77 = tpu.memref_squeeze %dma_start3A_76 : memref<1x1x128xi32, #tpu.memory_space<hbm>> -> memref<1x128xi32, #tpu.memory_space<hbm>>
        tpu.enqueue_dma source(%dma_start3A_77 : memref<1x128xi32, #tpu.memory_space<hbm>>) target(%arg9 : memref<1x128xi32, #tpu.memory_space<vmem>>) target_semaphore(%run_scoped3A_71 : memref<!tpu.dma_semaphore, #tpu.memory_space<semaphore_mem>>)
        %dma_wait3A_78 = arith.constant 0 : i32
        %dma_wait3A_79 = tpu.memref_slice %arg3[%add3A, %add3A_55, %dma_wait3A_78] : memref<32x82x128xi32, #tpu.memory_space<hbm>> -> memref<1x1x128xi32, #tpu.memory_space<hbm>>
        %dma_wait3A_80 = tpu.memref_squeeze %dma_wait3A_79 : memref<1x1x128xi32, #tpu.memory_space<hbm>> -> memref<1x128xi32, #tpu.memory_space<hbm>>
        %dma_wait3A_81 = arith.constant 0 : i32
        %dma_wait3A_82 = tpu.memref_slice %arg3[%add3A, %add3A_55, %dma_wait3A_81] : memref<32x82x128xi32, #tpu.memory_space<hbm>> -> memref<1x1x128xi32, #tpu.memory_space<hbm>>
        %dma_wait3A_83 = tpu.memref_squeeze %dma_wait3A_82 : memref<1x1x128xi32, #tpu.memory_space<hbm>> -> memref<1x128xi32, #tpu.memory_space<hbm>>
        tpu.wait_dma2 semaphore(%run_scoped3A_71 : memref<!tpu.dma_semaphore, #tpu.memory_space<semaphore_mem>>) src(%dma_wait3A_83 : memref<1x128xi32, #tpu.memory_space<hbm>>) dst(%arg9 : memref<1x128xi32, #tpu.memory_space<vmem>>)
        tpu.yield
      }) : () -> ()
      %dma_start3A_56 = arith.constant 0 : i32
      %dma_start3A_57 = arith.constant 0 : i32
      %dma_start3A_58 = tpu.memref_slice %arg7[%dma_start3A_56, %dma_start3A_57] : memref<1x128xi32, #tpu.memory_space<vmem>> -> memref<1x128xi32, #tpu.memory_space<vmem>>
      %dma_start3A_59 = tpu.memref_squeeze %dma_start3A_58 : memref<1x128xi32, #tpu.memory_space<vmem>> -> memref<128xi32, #tpu.memory_space<vmem>>
      %dma_start3A_60 = arith.constant 0 : i32
      %dma_start3A_61 = arith.constant 0 : i32
      %dma_start3A_62 = tpu.memref_slice %arg4[%dma_start3A_60, %dma_start3A_61] : memref<10000x128xf32, #tpu.memory_space<hbm>> -> memref<10000x128xf32, #tpu.memory_space<hbm>>
      tpu.enqueue_indirect_dma source(%dma_start3A_62 : memref<10000x128xf32, #tpu.memory_space<hbm>>) target(%arg11 : memref<128x128xf32, #tpu.memory_space<vmem>>) offsets(%dma_start3A_59 : memref<128xi32, #tpu.memory_space<vmem>>) semaphore(%arg14 : memref<!tpu.dma_semaphore, #tpu.memory_space<semaphore_mem>>)
      %dma_wait3A_63 = arith.constant 0 : i32
      %dma_wait3A_64 = arith.constant 0 : i32
      %dma_wait3A_65 = tpu.memref_slice %arg8[%dma_wait3A_63, %dma_wait3A_64] : memref<1x128xi32, #tpu.memory_space<vmem>> -> memref<1x128xi32, #tpu.memory_space<vmem>>
      %dma_wait3A_66 = tpu.memref_squeeze %dma_wait3A_65 : memref<1x128xi32, #tpu.memory_space<vmem>> -> memref<128xi32, #tpu.memory_space<vmem>>
      %dma_wait3A_67 = arith.constant 0 : i32
      %dma_wait3A_68 = arith.constant 0 : i32
      %dma_wait3A_69 = tpu.memref_slice %arg4[%dma_wait3A_67, %dma_wait3A_68] : memref<10000x128xf32, #tpu.memory_space<hbm>> -> memref<10000x128xf32, #tpu.memory_space<hbm>>
      tpu.wait_indirect_dma semaphore(%arg15 : memref<!tpu.dma_semaphore, #tpu.memory_space<semaphore_mem>>) src(%dma_wait3A_69 : memref<10000x128xf32, #tpu.memory_space<hbm>>) dst(%arg12 : memref<128x128xf32, #tpu.memory_space<vmem>>)
      %run_scoped3A_70 = arith.constant 0 : i32
      "tpu.region"() ({
        %run_scoped3A_71 = tpu.sem_alloc : memref<!tpu.dma_semaphore, #tpu.memory_space<semaphore_mem>>
        %dma_start3A_72 = arith.constant 0 : i32
        %dma_start3A_73 = tpu.memref_slice %arg10[%run_scoped3A_70, %dma_start3A_72] : memref<1x128xi32, #tpu.memory_space<vmem>> -> memref<1x128xi32, #tpu.memory_space<vmem>>
        %dma_start3A_74 = tpu.memref_squeeze %dma_start3A_73 : memref<1x128xi32, #tpu.memory_space<vmem>> -> memref<128xi32, #tpu.memory_space<vmem>>
        %dma_start3A_75 = arith.constant 0 : i32
        %dma_start3A_76 = arith.constant 0 : i32
        %dma_start3A_77 = tpu.memref_slice %arg13[%dma_start3A_75, %dma_start3A_76] : memref<10112x128xf32, #tpu.memory_space<vmem_shared>> -> memref<10112x128xf32, #tpu.memory_space<vmem_shared>>
        tpu.enqueue_indirect_dma source(%arg12 : memref<128x128xf32, #tpu.memory_space<vmem>>) target(%dma_start3A_77 : memref<10112x128xf32, #tpu.memory_space<vmem_shared>>) offsets(%dma_start3A_74 : memref<128xi32, #tpu.memory_space<vmem>>) semaphore(%run_scoped3A_71 : memref<!tpu.dma_semaphore, #tpu.memory_space<semaphore_mem>>) {add = true}
        %dma_wait3A_78 = arith.constant 0 : i32
        %dma_wait3A_79 = tpu.memref_slice %arg10[%run_scoped3A_70, %dma_wait3A_78] : memref<1x128xi32, #tpu.memory_space<vmem>> -> memref<1x128xi32, #tpu.memory_space<vmem>>
        %dma_wait3A_80 = tpu.memref_squeeze %dma_wait3A_79 : memref<1x128xi32, #tpu.memory_space<vmem>> -> memref<128xi32, #tpu.memory_space<vmem>>
        %dma_wait3A_81 = arith.constant 0 : i32
        %dma_wait3A_82 = arith.constant 0 : i32
        %dma_wait3A_83 = tpu.memref_slice %arg13[%dma_wait3A_81, %dma_wait3A_82] : memref<10112x128xf32, #tpu.memory_space<vmem_shared>> -> memref<10112x128xf32, #tpu.memory_space<vmem_shared>>
        tpu.wait_indirect_dma semaphore(%run_scoped3A_71 : memref<!tpu.dma_semaphore, #tpu.memory_space<semaphore_mem>>) src(%arg12 : memref<128x128xf32, #tpu.memory_space<vmem>>) dst(%dma_wait3A_83 : memref<10112x128xf32, #tpu.memory_space<vmem_shared>>)
        tpu.yield
      }) : () -> ()
    }
    %scan3A_13 = arith.constant 40 : i32
    %dma_wait3A = arith.constant 0 : i32
    %dma_wait3A_14 = arith.constant 0 : i32
    %dma_wait3A_15 = tpu.memref_slice %arg7[%dma_wait3A, %dma_wait3A_14] : memref<1x128xi32, #tpu.memory_space<vmem>> -> memref<1x128xi32, #tpu.memory_space<vmem>>
    %dma_wait3A_16 = tpu.memref_squeeze %dma_wait3A_15 : memref<1x128xi32, #tpu.memory_space<vmem>> -> memref<128xi32, #tpu.memory_space<vmem>>
    %dma_wait3A_17 = arith.constant 0 : i32
    %dma_wait3A_18 = arith.constant 0 : i32
    %dma_wait3A_19 = tpu.memref_slice %arg4[%dma_wait3A_17, %dma_wait3A_18] : memref<10000x128xf32, #tpu.memory_space<hbm>> -> memref<10000x128xf32, #tpu.memory_space<hbm>>
    tpu.wait_indirect_dma semaphore(%arg14 : memref<!tpu.dma_semaphore, #tpu.memory_space<semaphore_mem>>) src(%dma_wait3A_19 : memref<10000x128xf32, #tpu.memory_space<hbm>>) dst(%arg11 : memref<128x128xf32, #tpu.memory_space<vmem>>)
    %barrier3A_20 = arith.constant 0 : index
    tpu.barrier barrier_id(%barrier3A_20)
    %mul3A_21 = arith.constant 632 : i32
    %mul3A_22 = arith.muli %arg1, %mul3A_21 : i32
    %mul3A_23 = arith.constant 632 : i32
    %mul3A_24 = arith.muli %arg1, %mul3A_23 : i32
    "tpu.region"() ({
      %run_scoped3A = tpu.sem_alloc : memref<!tpu.dma_semaphore, #tpu.memory_space<semaphore_mem>>
      %dma_start3A_25 = arith.constant 0 : i32
      %dma_start3A_26 = tpu.memref_slice %arg6[%arg0, %mul3A_24, %dma_start3A_25] : memref<2x10112x128xf32, #tpu.memory_space<hbm>> -> memref<1x632x128xf32, #tpu.memory_space<hbm>>
      %dma_start3A_27 = tpu.memref_squeeze %dma_start3A_26 : memref<1x632x128xf32, #tpu.memory_space<hbm>> -> memref<632x128xf32, #tpu.memory_space<hbm>>
      %dma_start3A_28 = arith.constant 0 : i32
      %dma_start3A_29 = tpu.memref_slice %arg13[%mul3A_22, %dma_start3A_28] : memref<10112x128xf32, #tpu.memory_space<vmem_shared>> -> memref<632x128xf32, #tpu.memory_space<vmem_shared>>
      tpu.enqueue_dma source(%dma_start3A_29 : memref<632x128xf32, #tpu.memory_space<vmem_shared>>) target(%dma_start3A_27 : memref<632x128xf32, #tpu.memory_space<hbm>>) target_semaphore(%run_scoped3A : memref<!tpu.dma_semaphore, #tpu.memory_space<semaphore_mem>>)
      %dma_wait3A_30 = arith.constant 0 : i32
      %dma_wait3A_31 = tpu.memref_slice %arg6[%arg0, %mul3A_24, %dma_wait3A_30] : memref<2x10112x128xf32, #tpu.memory_space<hbm>> -> memref<1x632x128xf32, #tpu.memory_space<hbm>>
      %dma_wait3A_32 = tpu.memref_squeeze %dma_wait3A_31 : memref<1x632x128xf32, #tpu.memory_space<hbm>> -> memref<632x128xf32, #tpu.memory_space<hbm>>
      %dma_wait3A_33 = arith.constant 0 : i32
      %dma_wait3A_34 = tpu.memref_slice %arg13[%mul3A_22, %dma_wait3A_33] : memref<10112x128xf32, #tpu.memory_space<vmem_shared>> -> memref<632x128xf32, #tpu.memory_space<vmem_shared>>
      tpu.wait_dma2 semaphore(%run_scoped3A : memref<!tpu.dma_semaphore, #tpu.memory_space<semaphore_mem>>) src(%dma_wait3A_34 : memref<632x128xf32, #tpu.memory_space<vmem_shared>>) dst(%dma_wait3A_32 : memref<632x128xf32, #tpu.memory_space<hbm>>)
      tpu.yield
    }) : () -> ()
    return
  }
}

#map = affine_map<(d0, d1) -> (0, 0, 0)>
#map1 = affine_map<(d0, d1) -> (0, 0)>
module attributes {stable_mosaic.version = 14 : i64} {
  func.func @k(%arg0: i32, %arg1: i32, %arg2: memref<32x82x128xi32, #tpu.memory_space<hbm>>, %arg3: memref<32x82x128xi32, #tpu.memory_space<hbm>>, %arg4: memref<10000x128xf32, #tpu.memory_space<hbm>>, %arg5: memref<632x128xf32, #tpu.memory_space<hbm>>, %arg6: memref<2x10112x128xf32, #tpu.memory_space<hbm>>, %arg7: memref<1x128xi32, #tpu.memory_space<vmem>>, %arg8: memref<1x128xi32, #tpu.memory_space<vmem>>, %arg9: memref<1x128xi32, #tpu.memory_space<vmem>>, %arg10: memref<1x128xi32, #tpu.memory_space<vmem>>, %arg11: memref<128x128xf32, #tpu.memory_space<vmem>>, %arg12: memref<128x128xf32, #tpu.memory_space<vmem>>, %arg13: memref<10112x128xf32, #tpu.memory_space<vmem_shared>>, %arg14: memref<!tpu.dma_semaphore, #tpu.memory_space<semaphore_mem>>, %arg15: memref<!tpu.dma_semaphore, #tpu.memory_space<semaphore_mem>>) attributes {dimension_semantics = [#tpu.dimension_semantics<core_parallel>, #tpu.dimension_semantics<subcore_parallel>], iteration_bounds = array<i64: 2, 16>, scalar_prefetch = 0 : i64, scratch_operands = 9 : i64, tpu.core_type = #tpu.core_type<sc_vector_subcore>, window_params = [{transform_indices = #map}, {transform_indices = #map}, {transform_indices = #map1}, {transform_indices = #map1}, {transform_indices = #map}]} {
    %mul3A = arith.constant 16 : i32
    %mul3A_0 = arith.muli %arg0, %mul3A : i32
    %add3A = arith.addi %mul3A_0, %arg1 : i32
    "tpu.region"() ({
      %run_scoped3A = tpu.sem_alloc : memref<!tpu.dma_semaphore, #tpu.memory_space<semaphore_mem>>
      %dma_start3A_25 = arith.constant 0 : i32
      %dma_start3A_26 = arith.constant 0 : i32
      %dma_start3A_27 = tpu.memref_slice %arg2[%add3A, %dma_start3A_25, %dma_start3A_26] : memref<32x82x128xi32, #tpu.memory_space<hbm>> -> memref<1x1x128xi32, #tpu.memory_space<hbm>>
      %dma_start3A_28 = tpu.memref_squeeze %dma_start3A_27 : memref<1x1x128xi32, #tpu.memory_space<hbm>> -> memref<1x128xi32, #tpu.memory_space<hbm>>
      %dma_start3A_29 = arith.constant 0 : i32
      %dma_start3A_30 = arith.constant 0 : i32
      %dma_start3A_31 = tpu.memref_slice %arg2[%add3A, %dma_start3A_29, %dma_start3A_30] : memref<32x82x128xi32, #tpu.memory_space<hbm>> -> memref<1x1x128xi32, #tpu.memory_space<hbm>>
      %dma_start3A_32 = tpu.memref_squeeze %dma_start3A_31 : memref<1x1x128xi32, #tpu.memory_space<hbm>> -> memref<1x128xi32, #tpu.memory_space<hbm>>
      tpu.enqueue_dma source(%dma_start3A_32 : memref<1x128xi32, #tpu.memory_space<hbm>>) target(%arg7 : memref<1x128xi32, #tpu.memory_space<vmem>>) target_semaphore(%run_scoped3A : memref<!tpu.dma_semaphore, #tpu.memory_space<semaphore_mem>>)
      %dma_wait3A_33 = arith.constant 0 : i32
      %dma_wait3A_34 = arith.constant 0 : i32
      %dma_wait3A_35 = tpu.memref_slice %arg2[%add3A, %dma_wait3A_33, %dma_wait3A_34] : memref<32x82x128xi32, #tpu.memory_space<hbm>> -> memref<1x1x128xi32, #tpu.memory_space<hbm>>
      %dma_wait3A_36 = tpu.memref_squeeze %dma_wait3A_35 : memref<1x1x128xi32, #tpu.memory_space<hbm>> -> memref<1x128xi32, #tpu.memory_space<hbm>>
      %dma_wait3A_37 = arith.constant 0 : i32
      %dma_wait3A_38 = arith.constant 0 : i32
      %dma_wait3A_39 = tpu.memref_slice %arg2[%add3A, %dma_wait3A_37, %dma_wait3A_38] : memref<32x82x128xi32, #tpu.memory_space<hbm>> -> memref<1x1x128xi32, #tpu.memory_space<hbm>>
      %dma_wait3A_40 = tpu.memref_squeeze %dma_wait3A_39 : memref<1x1x128xi32, #tpu.memory_space<hbm>> -> memref<1x128xi32, #tpu.memory_space<hbm>>
      tpu.wait_dma2 semaphore(%run_scoped3A : memref<!tpu.dma_semaphore, #tpu.memory_space<semaphore_mem>>) src(%dma_wait3A_40 : memref<1x128xi32, #tpu.memory_space<hbm>>) dst(%arg7 : memref<1x128xi32, #tpu.memory_space<vmem>>)
      tpu.yield
    }) : () -> ()
    "tpu.region"() ({
      %run_scoped3A = tpu.sem_alloc : memref<!tpu.dma_semaphore, #tpu.memory_space<semaphore_mem>>
      %dma_start3A_25 = arith.constant 0 : i32
      %dma_start3A_26 = arith.constant 0 : i32
      %dma_start3A_27 = tpu.memref_slice %arg3[%add3A, %dma_start3A_25, %dma_start3A_26] : memref<32x82x128xi32, #tpu.memory_space<hbm>> -> memref<1x1x128xi32, #tpu.memory_space<hbm>>
      %dma_start3A_28 = tpu.memref_squeeze %dma_start3A_27 : memref<1x1x128xi32, #tpu.memory_space<hbm>> -> memref<1x128xi32, #tpu.memory_space<hbm>>
      %dma_start3A_29 = arith.constant 0 : i32
      %dma_start3A_30 = arith.constant 0 : i32
      %dma_start3A_31 = tpu.memref_slice %arg3[%add3A, %dma_start3A_29, %dma_start3A_30] : memref<32x82x128xi32, #tpu.memory_space<hbm>> -> memref<1x1x128xi32, #tpu.memory_space<hbm>>
      %dma_start3A_32 = tpu.memref_squeeze %dma_start3A_31 : memref<1x1x128xi32, #tpu.memory_space<hbm>> -> memref<1x128xi32, #tpu.memory_space<hbm>>
      tpu.enqueue_dma source(%dma_start3A_32 : memref<1x128xi32, #tpu.memory_space<hbm>>) target(%arg9 : memref<1x128xi32, #tpu.memory_space<vmem>>) target_semaphore(%run_scoped3A : memref<!tpu.dma_semaphore, #tpu.memory_space<semaphore_mem>>)
      %dma_wait3A_33 = arith.constant 0 : i32
      %dma_wait3A_34 = arith.constant 0 : i32
      %dma_wait3A_35 = tpu.memref_slice %arg3[%add3A, %dma_wait3A_33, %dma_wait3A_34] : memref<32x82x128xi32, #tpu.memory_space<hbm>> -> memref<1x1x128xi32, #tpu.memory_space<hbm>>
      %dma_wait3A_36 = tpu.memref_squeeze %dma_wait3A_35 : memref<1x1x128xi32, #tpu.memory_space<hbm>> -> memref<1x128xi32, #tpu.memory_space<hbm>>
      %dma_wait3A_37 = arith.constant 0 : i32
      %dma_wait3A_38 = arith.constant 0 : i32
      %dma_wait3A_39 = tpu.memref_slice %arg3[%add3A, %dma_wait3A_37, %dma_wait3A_38] : memref<32x82x128xi32, #tpu.memory_space<hbm>> -> memref<1x1x128xi32, #tpu.memory_space<hbm>>
      %dma_wait3A_40 = tpu.memref_squeeze %dma_wait3A_39 : memref<1x1x128xi32, #tpu.memory_space<hbm>> -> memref<1x128xi32, #tpu.memory_space<hbm>>
      tpu.wait_dma2 semaphore(%run_scoped3A : memref<!tpu.dma_semaphore, #tpu.memory_space<semaphore_mem>>) src(%dma_wait3A_40 : memref<1x128xi32, #tpu.memory_space<hbm>>) dst(%arg9 : memref<1x128xi32, #tpu.memory_space<vmem>>)
      tpu.yield
    }) : () -> ()
    %dma_start3A = arith.constant 0 : i32
    %dma_start3A_1 = arith.constant 0 : i32
    %dma_start3A_2 = tpu.memref_slice %arg7[%dma_start3A, %dma_start3A_1] : memref<1x128xi32, #tpu.memory_space<vmem>> -> memref<1x128xi32, #tpu.memory_space<vmem>>
    %dma_start3A_3 = tpu.memref_squeeze %dma_start3A_2 : memref<1x128xi32, #tpu.memory_space<vmem>> -> memref<128xi32, #tpu.memory_space<vmem>>
    %dma_start3A_4 = arith.constant 0 : i32
    %dma_start3A_5 = arith.constant 0 : i32
    %dma_start3A_6 = tpu.memref_slice %arg4[%dma_start3A_4, %dma_start3A_5] : memref<10000x128xf32, #tpu.memory_space<hbm>> -> memref<10000x128xf32, #tpu.memory_space<hbm>>
    tpu.enqueue_indirect_dma source(%dma_start3A_6 : memref<10000x128xf32, #tpu.memory_space<hbm>>) target(%arg11 : memref<128x128xf32, #tpu.memory_space<vmem>>) offsets(%dma_start3A_3 : memref<128xi32, #tpu.memory_space<vmem>>) semaphore(%arg14 : memref<!tpu.dma_semaphore, #tpu.memory_space<semaphore_mem>>)
    %mul3A_7 = arith.constant 632 : i32
    %mul3A_8 = arith.muli %arg1, %mul3A_7 : i32
    "tpu.region"() ({
      %run_scoped3A = tpu.sem_alloc : memref<!tpu.dma_semaphore, #tpu.memory_space<semaphore_mem>>
      %dma_start3A_25 = arith.constant 0 : i32
      %dma_start3A_26 = tpu.memref_slice %arg13[%mul3A_8, %dma_start3A_25] : memref<10112x128xf32, #tpu.memory_space<vmem_shared>> -> memref<632x128xf32, #tpu.memory_space<vmem_shared>>
      tpu.enqueue_dma source(%arg5 : memref<632x128xf32, #tpu.memory_space<hbm>>) target(%dma_start3A_26 : memref<632x128xf32, #tpu.memory_space<vmem_shared>>) target_semaphore(%run_scoped3A : memref<!tpu.dma_semaphore, #tpu.memory_space<semaphore_mem>>)
      %dma_wait3A_27 = arith.constant 0 : i32
      %dma_wait3A_28 = tpu.memref_slice %arg13[%mul3A_8, %dma_wait3A_27] : memref<10112x128xf32, #tpu.memory_space<vmem_shared>> -> memref<632x128xf32, #tpu.memory_space<vmem_shared>>
      tpu.wait_dma2 semaphore(%run_scoped3A : memref<!tpu.dma_semaphore, #tpu.memory_space<semaphore_mem>>) src(%arg5 : memref<632x128xf32, #tpu.memory_space<hbm>>) dst(%dma_wait3A_28 : memref<632x128xf32, #tpu.memory_space<vmem_shared>>)
      tpu.yield
    }) : () -> ()
    %barrier3A = arith.constant 0 : index
    tpu.barrier barrier_id(%barrier3A)
    %scan3A = arith.constant 0 : i32
    %scan3A_9 = arith.constant 0 : i32
    %scan3A_10 = arith.constant 40 : i32
    %scan3A_11 = arith.addi %scan3A_9, %scan3A_10 : i32
    %scan3A_12 = arith.constant 1 : i32
    scf.for %scan3A_25 = %scan3A_9 to %scan3A_11 step %scan3A_12  : i32 {
      %mul3A_26 = arith.constant 2 : i32
      %mul3A_27 = arith.muli %mul3A_26, %scan3A_25 : i32
      %add3A_28 = arith.constant 0 : i32
      %add3A_29 = arith.addi %mul3A_27, %add3A_28 : i32
      %add3A_30 = arith.constant 1 : i32
      %add3A_31 = arith.addi %add3A_29, %add3A_30 : i32
      "tpu.region"() ({
        %run_scoped3A_71 = tpu.sem_alloc : memref<!tpu.dma_semaphore, #tpu.memory_space<semaphore_mem>>
        %dma_start3A_72 = arith.constant 0 : i32
        %dma_start3A_73 = tpu.memref_slice %arg2[%add3A, %add3A_31, %dma_start3A_72] : memref<32x82x128xi32, #tpu.memory_space<hbm>> -> memref<1x1x128xi32, #tpu.memory_space<hbm>>
        %dma_start3A_74 = tpu.memref_squeeze %dma_start3A_73 : memref<1x1x128xi32, #tpu.memory_space<hbm>> -> memref<1x128xi32, #tpu.memory_space<hbm>>
        %dma_start3A_75 = arith.constant 0 : i32
        %dma_start3A_76 = tpu.memref_slice %arg2[%add3A, %add3A_31, %dma_start3A_75] : memref<32x82x128xi32, #tpu.memory_space<hbm>> -> memref<1x1x128xi32, #tpu.memory_space<hbm>>
        %dma_start3A_77 = tpu.memref_squeeze %dma_start3A_76 : memref<1x1x128xi32, #tpu.memory_space<hbm>> -> memref<1x128xi32, #tpu.memory_space<hbm>>
        tpu.enqueue_dma source(%dma_start3A_77 : memref<1x128xi32, #tpu.memory_space<hbm>>) target(%arg8 : memref<1x128xi32, #tpu.memory_space<vmem>>) target_semaphore(%run_scoped3A_71 : memref<!tpu.dma_semaphore, #tpu.memory_space<semaphore_mem>>)
        %dma_wait3A_78 = arith.constant 0 : i32
        %dma_wait3A_79 = tpu.memref_slice %arg2[%add3A, %add3A_31, %dma_wait3A_78] : memref<32x82x128xi32, #tpu.memory_space<hbm>> -> memref<1x1x128xi32, #tpu.memory_space<hbm>>
        %dma_wait3A_80 = tpu.memref_squeeze %dma_wait3A_79 : memref<1x1x128xi32, #tpu.memory_space<hbm>> -> memref<1x128xi32, #tpu.memory_space<hbm>>
        %dma_wait3A_81 = arith.constant 0 : i32
        %dma_wait3A_82 = tpu.memref_slice %arg2[%add3A, %add3A_31, %dma_wait3A_81] : memref<32x82x128xi32, #tpu.memory_space<hbm>> -> memref<1x1x128xi32, #tpu.memory_space<hbm>>
        %dma_wait3A_83 = tpu.memref_squeeze %dma_wait3A_82 : memref<1x1x128xi32, #tpu.memory_space<hbm>> -> memref<1x128xi32, #tpu.memory_space<hbm>>
        tpu.wait_dma2 semaphore(%run_scoped3A_71 : memref<!tpu.dma_semaphore, #tpu.memory_space<semaphore_mem>>) src(%dma_wait3A_83 : memref<1x128xi32, #tpu.memory_space<hbm>>) dst(%arg8 : memref<1x128xi32, #tpu.memory_space<vmem>>)
        tpu.yield
      }) : () -> ()
      %add3A_32 = arith.constant 1 : i32
      %add3A_33 = arith.addi %add3A_29, %add3A_32 : i32
      "tpu.region"() ({
        %run_scoped3A_71 = tpu.sem_alloc : memref<!tpu.dma_semaphore, #tpu.memory_space<semaphore_mem>>
        %dma_start3A_72 = arith.constant 0 : i32
        %dma_start3A_73 = tpu.memref_slice %arg3[%add3A, %add3A_33, %dma_start3A_72] : memref<32x82x128xi32, #tpu.memory_space<hbm>> -> memref<1x1x128xi32, #tpu.memory_space<hbm>>
        %dma_start3A_74 = tpu.memref_squeeze %dma_start3A_73 : memref<1x1x128xi32, #tpu.memory_space<hbm>> -> memref<1x128xi32, #tpu.memory_space<hbm>>
        %dma_start3A_75 = arith.constant 0 : i32
        %dma_start3A_76 = tpu.memref_slice %arg3[%add3A, %add3A_33, %dma_start3A_75] : memref<32x82x128xi32, #tpu.memory_space<hbm>> -> memref<1x1x128xi32, #tpu.memory_space<hbm>>
        %dma_start3A_77 = tpu.memref_squeeze %dma_start3A_76 : memref<1x1x128xi32, #tpu.memory_space<hbm>> -> memref<1x128xi32, #tpu.memory_space<hbm>>
        tpu.enqueue_dma source(%dma_start3A_77 : memref<1x128xi32, #tpu.memory_space<hbm>>) target(%arg10 : memref<1x128xi32, #tpu.memory_space<vmem>>) target_semaphore(%run_scoped3A_71 : memref<!tpu.dma_semaphore, #tpu.memory_space<semaphore_mem>>)
        %dma_wait3A_78 = arith.constant 0 : i32
        %dma_wait3A_79 = tpu.memref_slice %arg3[%add3A, %add3A_33, %dma_wait3A_78] : memref<32x82x128xi32, #tpu.memory_space<hbm>> -> memref<1x1x128xi32, #tpu.memory_space<hbm>>
        %dma_wait3A_80 = tpu.memref_squeeze %dma_wait3A_79 : memref<1x1x128xi32, #tpu.memory_space<hbm>> -> memref<1x128xi32, #tpu.memory_space<hbm>>
        %dma_wait3A_81 = arith.constant 0 : i32
        %dma_wait3A_82 = tpu.memref_slice %arg3[%add3A, %add3A_33, %dma_wait3A_81] : memref<32x82x128xi32, #tpu.memory_space<hbm>> -> memref<1x1x128xi32, #tpu.memory_space<hbm>>
        %dma_wait3A_83 = tpu.memref_squeeze %dma_wait3A_82 : memref<1x1x128xi32, #tpu.memory_space<hbm>> -> memref<1x128xi32, #tpu.memory_space<hbm>>
        tpu.wait_dma2 semaphore(%run_scoped3A_71 : memref<!tpu.dma_semaphore, #tpu.memory_space<semaphore_mem>>) src(%dma_wait3A_83 : memref<1x128xi32, #tpu.memory_space<hbm>>) dst(%arg10 : memref<1x128xi32, #tpu.memory_space<vmem>>)
        tpu.yield
      }) : () -> ()
      %dma_start3A_34 = arith.constant 0 : i32
      %dma_start3A_35 = arith.constant 0 : i32
      %dma_start3A_36 = tpu.memref_slice %arg8[%dma_start3A_34, %dma_start3A_35] : memref<1x128xi32, #tpu.memory_space<vmem>> -> memref<1x128xi32, #tpu.memory_space<vmem>>
      %dma_start3A_37 = tpu.memref_squeeze %dma_start3A_36 : memref<1x128xi32, #tpu.memory_space<vmem>> -> memref<128xi32, #tpu.memory_space<vmem>>
      %dma_start3A_38 = arith.constant 0 : i32
      %dma_start3A_39 = arith.constant 0 : i32
      %dma_start3A_40 = tpu.memref_slice %arg4[%dma_start3A_38, %dma_start3A_39] : memref<10000x128xf32, #tpu.memory_space<hbm>> -> memref<10000x128xf32, #tpu.memory_space<hbm>>
      tpu.enqueue_indirect_dma source(%dma_start3A_40 : memref<10000x128xf32, #tpu.memory_space<hbm>>) target(%arg12 : memref<128x128xf32, #tpu.memory_space<vmem>>) offsets(%dma_start3A_37 : memref<128xi32, #tpu.memory_space<vmem>>) semaphore(%arg15 : memref<!tpu.dma_semaphore, #tpu.memory_space<semaphore_mem>>)
      %dma_wait3A_41 = arith.constant 0 : i32
      %dma_wait3A_42 = arith.constant 0 : i32
      %dma_wait3A_43 = tpu.memref_slice %arg7[%dma_wait3A_41, %dma_wait3A_42] : memref<1x128xi32, #tpu.memory_space<vmem>> -> memref<1x128xi32, #tpu.memory_space<vmem>>
      %dma_wait3A_44 = tpu.memref_squeeze %dma_wait3A_43 : memref<1x128xi32, #tpu.memory_space<vmem>> -> memref<128xi32, #tpu.memory_space<vmem>>
      %dma_wait3A_45 = arith.constant 0 : i32
      %dma_wait3A_46 = arith.constant 0 : i32
      %dma_wait3A_47 = tpu.memref_slice %arg4[%dma_wait3A_45, %dma_wait3A_46] : memref<10000x128xf32, #tpu.memory_space<hbm>> -> memref<10000x128xf32, #tpu.memory_space<hbm>>
      tpu.wait_indirect_dma semaphore(%arg14 : memref<!tpu.dma_semaphore, #tpu.memory_space<semaphore_mem>>) src(%dma_wait3A_47 : memref<10000x128xf32, #tpu.memory_space<hbm>>) dst(%arg11 : memref<128x128xf32, #tpu.memory_space<vmem>>)
      %run_scoped3A = arith.constant 0 : i32
      "tpu.region"() ({
        %run_scoped3A_71 = tpu.sem_alloc : memref<!tpu.dma_semaphore, #tpu.memory_space<semaphore_mem>>
        %dma_start3A_72 = arith.constant 0 : i32
        %dma_start3A_73 = tpu.memref_slice %arg9[%run_scoped3A, %dma_start3A_72] : memref<1x128xi32, #tpu.memory_space<vmem>> -> memref<1x128xi32, #tpu.memory_space<vmem>>
        %dma_start3A_74 = tpu.memref_squeeze %dma_start3A_73 : memref<1x128xi32, #tpu.memory_space<vmem>> -> memref<128xi32, #tpu.memory_space<vmem>>
        %dma_start3A_75 = arith.constant 0 : i32
        %dma_start3A_76 = arith.constant 0 : i32
        %dma_start3A_77 = tpu.memref_slice %arg13[%dma_start3A_75, %dma_start3A_76] : memref<10112x128xf32, #tpu.memory_space<vmem_shared>> -> memref<10112x128xf32, #tpu.memory_space<vmem_shared>>
        tpu.enqueue_indirect_dma source(%arg11 : memref<128x128xf32, #tpu.memory_space<vmem>>) target(%dma_start3A_77 : memref<10112x128xf32, #tpu.memory_space<vmem_shared>>) offsets(%dma_start3A_74 : memref<128xi32, #tpu.memory_space<vmem>>) semaphore(%run_scoped3A_71 : memref<!tpu.dma_semaphore, #tpu.memory_space<semaphore_mem>>) {add = true}
        %dma_wait3A_78 = arith.constant 0 : i32
        %dma_wait3A_79 = tpu.memref_slice %arg9[%run_scoped3A, %dma_wait3A_78] : memref<1x128xi32, #tpu.memory_space<vmem>> -> memref<1x128xi32, #tpu.memory_space<vmem>>
        %dma_wait3A_80 = tpu.memref_squeeze %dma_wait3A_79 : memref<1x128xi32, #tpu.memory_space<vmem>> -> memref<128xi32, #tpu.memory_space<vmem>>
        %dma_wait3A_81 = arith.constant 0 : i32
        %dma_wait3A_82 = arith.constant 0 : i32
        %dma_wait3A_83 = tpu.memref_slice %arg13[%dma_wait3A_81, %dma_wait3A_82] : memref<10112x128xf32, #tpu.memory_space<vmem_shared>> -> memref<10112x128xf32, #tpu.memory_space<vmem_shared>>
        tpu.wait_indirect_dma semaphore(%run_scoped3A_71 : memref<!tpu.dma_semaphore, #tpu.memory_space<semaphore_mem>>) src(%arg11 : memref<128x128xf32, #tpu.memory_space<vmem>>) dst(%dma_wait3A_83 : memref<10112x128xf32, #tpu.memory_space<vmem_shared>>)
        tpu.yield
      }) : () -> ()
      %mul3A_48 = arith.constant 2 : i32
      %mul3A_49 = arith.muli %mul3A_48, %scan3A_25 : i32
      %add3A_50 = arith.constant 1 : i32
      %add3A_51 = arith.addi %mul3A_49, %add3A_50 : i32
      %add3A_52 = arith.constant 1 : i32
      %add3A_53 = arith.addi %add3A_51, %add3A_52 : i32
      "tpu.region"() ({
        %run_scoped3A_71 = tpu.sem_alloc : memref<!tpu.dma_semaphore, #tpu.memory_space<semaphore_mem>>
        %dma_start3A_72 = arith.constant 0 : i32
        %dma_start3A_73 = tpu.memref_slice %arg2[%add3A, %add3A_53, %dma_start3A_72] : memref<32x82x128xi32, #tpu.memory_space<hbm>> -> memref<1x1x128xi32, #tpu.memory_space<hbm>>
        %dma_start3A_74 = tpu.memref_squeeze %dma_start3A_73 : memref<1x1x128xi32, #tpu.memory_space<hbm>> -> memref<1x128xi32, #tpu.memory_space<hbm>>
        %dma_start3A_75 = arith.constant 0 : i32
        %dma_start3A_76 = tpu.memref_slice %arg2[%add3A, %add3A_53, %dma_start3A_75] : memref<32x82x128xi32, #tpu.memory_space<hbm>> -> memref<1x1x128xi32, #tpu.memory_space<hbm>>
        %dma_start3A_77 = tpu.memref_squeeze %dma_start3A_76 : memref<1x1x128xi32, #tpu.memory_space<hbm>> -> memref<1x128xi32, #tpu.memory_space<hbm>>
        tpu.enqueue_dma source(%dma_start3A_77 : memref<1x128xi32, #tpu.memory_space<hbm>>) target(%arg7 : memref<1x128xi32, #tpu.memory_space<vmem>>) target_semaphore(%run_scoped3A_71 : memref<!tpu.dma_semaphore, #tpu.memory_space<semaphore_mem>>)
        %dma_wait3A_78 = arith.constant 0 : i32
        %dma_wait3A_79 = tpu.memref_slice %arg2[%add3A, %add3A_53, %dma_wait3A_78] : memref<32x82x128xi32, #tpu.memory_space<hbm>> -> memref<1x1x128xi32, #tpu.memory_space<hbm>>
        %dma_wait3A_80 = tpu.memref_squeeze %dma_wait3A_79 : memref<1x1x128xi32, #tpu.memory_space<hbm>> -> memref<1x128xi32, #tpu.memory_space<hbm>>
        %dma_wait3A_81 = arith.constant 0 : i32
        %dma_wait3A_82 = tpu.memref_slice %arg2[%add3A, %add3A_53, %dma_wait3A_81] : memref<32x82x128xi32, #tpu.memory_space<hbm>> -> memref<1x1x128xi32, #tpu.memory_space<hbm>>
        %dma_wait3A_83 = tpu.memref_squeeze %dma_wait3A_82 : memref<1x1x128xi32, #tpu.memory_space<hbm>> -> memref<1x128xi32, #tpu.memory_space<hbm>>
        tpu.wait_dma2 semaphore(%run_scoped3A_71 : memref<!tpu.dma_semaphore, #tpu.memory_space<semaphore_mem>>) src(%dma_wait3A_83 : memref<1x128xi32, #tpu.memory_space<hbm>>) dst(%arg7 : memref<1x128xi32, #tpu.memory_space<vmem>>)
        tpu.yield
      }) : () -> ()
      %add3A_54 = arith.constant 1 : i32
      %add3A_55 = arith.addi %add3A_51, %add3A_54 : i32
      "tpu.region"() ({
        %run_scoped3A_71 = tpu.sem_alloc : memref<!tpu.dma_semaphore, #tpu.memory_space<semaphore_mem>>
        %dma_start3A_72 = arith.constant 0 : i32
        %dma_start3A_73 = tpu.memref_slice %arg3[%add3A, %add3A_55, %dma_start3A_72] : memref<32x82x128xi32, #tpu.memory_space<hbm>> -> memref<1x1x128xi32, #tpu.memory_space<hbm>>
        %dma_start3A_74 = tpu.memref_squeeze %dma_start3A_73 : memref<1x1x128xi32, #tpu.memory_space<hbm>> -> memref<1x128xi32, #tpu.memory_space<hbm>>
        %dma_start3A_75 = arith.constant 0 : i32
        %dma_start3A_76 = tpu.memref_slice %arg3[%add3A, %add3A_55, %dma_start3A_75] : memref<32x82x128xi32, #tpu.memory_space<hbm>> -> memref<1x1x128xi32, #tpu.memory_space<hbm>>
        %dma_start3A_77 = tpu.memref_squeeze %dma_start3A_76 : memref<1x1x128xi32, #tpu.memory_space<hbm>> -> memref<1x128xi32, #tpu.memory_space<hbm>>
        tpu.enqueue_dma source(%dma_start3A_77 : memref<1x128xi32, #tpu.memory_space<hbm>>) target(%arg9 : memref<1x128xi32, #tpu.memory_space<vmem>>) target_semaphore(%run_scoped3A_71 : memref<!tpu.dma_semaphore, #tpu.memory_space<semaphore_mem>>)
        %dma_wait3A_78 = arith.constant 0 : i32
        %dma_wait3A_79 = tpu.memref_slice %arg3[%add3A, %add3A_55, %dma_wait3A_78] : memref<32x82x128xi32, #tpu.memory_space<hbm>> -> memref<1x1x128xi32, #tpu.memory_space<hbm>>
        %dma_wait3A_80 = tpu.memref_squeeze %dma_wait3A_79 : memref<1x1x128xi32, #tpu.memory_space<hbm>> -> memref<1x128xi32, #tpu.memory_space<hbm>>
        %dma_wait3A_81 = arith.constant 0 : i32
        %dma_wait3A_82 = tpu.memref_slice %arg3[%add3A, %add3A_55, %dma_wait3A_81] : memref<32x82x128xi32, #tpu.memory_space<hbm>> -> memref<1x1x128xi32, #tpu.memory_space<hbm>>
        %dma_wait3A_83 = tpu.memref_squeeze %dma_wait3A_82 : memref<1x1x128xi32, #tpu.memory_space<hbm>> -> memref<1x128xi32, #tpu.memory_space<hbm>>
        tpu.wait_dma2 semaphore(%run_scoped3A_71 : memref<!tpu.dma_semaphore, #tpu.memory_space<semaphore_mem>>) src(%dma_wait3A_83 : memref<1x128xi32, #tpu.memory_space<hbm>>) dst(%arg9 : memref<1x128xi32, #tpu.memory_space<vmem>>)
        tpu.yield
      }) : () -> ()
      %dma_start3A_56 = arith.constant 0 : i32
      %dma_start3A_57 = arith.constant 0 : i32
      %dma_start3A_58 = tpu.memref_slice %arg7[%dma_start3A_56, %dma_start3A_57] : memref<1x128xi32, #tpu.memory_space<vmem>> -> memref<1x128xi32, #tpu.memory_space<vmem>>
      %dma_start3A_59 = tpu.memref_squeeze %dma_start3A_58 : memref<1x128xi32, #tpu.memory_space<vmem>> -> memref<128xi32, #tpu.memory_space<vmem>>
      %dma_start3A_60 = arith.constant 0 : i32
      %dma_start3A_61 = arith.constant 0 : i32
      %dma_start3A_62 = tpu.memref_slice %arg4[%dma_start3A_60, %dma_start3A_61] : memref<10000x128xf32, #tpu.memory_space<hbm>> -> memref<10000x128xf32, #tpu.memory_space<hbm>>
      tpu.enqueue_indirect_dma source(%dma_start3A_62 : memref<10000x128xf32, #tpu.memory_space<hbm>>) target(%arg11 : memref<128x128xf32, #tpu.memory_space<vmem>>) offsets(%dma_start3A_59 : memref<128xi32, #tpu.memory_space<vmem>>) semaphore(%arg14 : memref<!tpu.dma_semaphore, #tpu.memory_space<semaphore_mem>>)
      %dma_wait3A_63 = arith.constant 0 : i32
      %dma_wait3A_64 = arith.constant 0 : i32
      %dma_wait3A_65 = tpu.memref_slice %arg8[%dma_wait3A_63, %dma_wait3A_64] : memref<1x128xi32, #tpu.memory_space<vmem>> -> memref<1x128xi32, #tpu.memory_space<vmem>>
      %dma_wait3A_66 = tpu.memref_squeeze %dma_wait3A_65 : memref<1x128xi32, #tpu.memory_space<vmem>> -> memref<128xi32, #tpu.memory_space<vmem>>
      %dma_wait3A_67 = arith.constant 0 : i32
      %dma_wait3A_68 = arith.constant 0 : i32
      %dma_wait3A_69 = tpu.memref_slice %arg4[%dma_wait3A_67, %dma_wait3A_68] : memref<10000x128xf32, #tpu.memory_space<hbm>> -> memref<10000x128xf32, #tpu.memory_space<hbm>>
      tpu.wait_indirect_dma semaphore(%arg15 : memref<!tpu.dma_semaphore, #tpu.memory_space<semaphore_mem>>) src(%dma_wait3A_69 : memref<10000x128xf32, #tpu.memory_space<hbm>>) dst(%arg12 : memref<128x128xf32, #tpu.memory_space<vmem>>)
      %run_scoped3A_70 = arith.constant 0 : i32
      "tpu.region"() ({
        %run_scoped3A_71 = tpu.sem_alloc : memref<!tpu.dma_semaphore, #tpu.memory_space<semaphore_mem>>
        %dma_start3A_72 = arith.constant 0 : i32
        %dma_start3A_73 = tpu.memref_slice %arg10[%run_scoped3A_70, %dma_start3A_72] : memref<1x128xi32, #tpu.memory_space<vmem>> -> memref<1x128xi32, #tpu.memory_space<vmem>>
        %dma_start3A_74 = tpu.memref_squeeze %dma_start3A_73 : memref<1x128xi32, #tpu.memory_space<vmem>> -> memref<128xi32, #tpu.memory_space<vmem>>
        %dma_start3A_75 = arith.constant 0 : i32
        %dma_start3A_76 = arith.constant 0 : i32
        %dma_start3A_77 = tpu.memref_slice %arg13[%dma_start3A_75, %dma_start3A_76] : memref<10112x128xf32, #tpu.memory_space<vmem_shared>> -> memref<10112x128xf32, #tpu.memory_space<vmem_shared>>
        tpu.enqueue_indirect_dma source(%arg12 : memref<128x128xf32, #tpu.memory_space<vmem>>) target(%dma_start3A_77 : memref<10112x128xf32, #tpu.memory_space<vmem_shared>>) offsets(%dma_start3A_74 : memref<128xi32, #tpu.memory_space<vmem>>) semaphore(%run_scoped3A_71 : memref<!tpu.dma_semaphore, #tpu.memory_space<semaphore_mem>>) {add = true}
        %dma_wait3A_78 = arith.constant 0 : i32
        %dma_wait3A_79 = tpu.memref_slice %arg10[%run_scoped3A_70, %dma_wait3A_78] : memref<1x128xi32, #tpu.memory_space<vmem>> -> memref<1x128xi32, #tpu.memory_space<vmem>>
        %dma_wait3A_80 = tpu.memref_squeeze %dma_wait3A_79 : memref<1x128xi32, #tpu.memory_space<vmem>> -> memref<128xi32, #tpu.memory_space<vmem>>
        %dma_wait3A_81 = arith.constant 0 : i32
        %dma_wait3A_82 = arith.constant 0 : i32
        %dma_wait3A_83 = tpu.memref_slice %arg13[%dma_wait3A_81, %dma_wait3A_82] : memref<10112x128xf32, #tpu.memory_space<vmem_shared>> -> memref<10112x128xf32, #tpu.memory_space<vmem_shared>>
        tpu.wait_indirect_dma semaphore(%run_scoped3A_71 : memref<!tpu.dma_semaphore, #tpu.memory_space<semaphore_mem>>) src(%arg12 : memref<128x128xf32, #tpu.memory_space<vmem>>) dst(%dma_wait3A_83 : memref<10112x128xf32, #tpu.memory_space<vmem_shared>>)
        tpu.yield
      }) : () -> ()
    }
    %scan3A_13 = arith.constant 40 : i32
    %dma_wait3A = arith.constant 0 : i32
    %dma_wait3A_14 = arith.constant 0 : i32
    %dma_wait3A_15 = tpu.memref_slice %arg7[%dma_wait3A, %dma_wait3A_14] : memref<1x128xi32, #tpu.memory_space<vmem>> -> memref<1x128xi32, #tpu.memory_space<vmem>>
    %dma_wait3A_16 = tpu.memref_squeeze %dma_wait3A_15 : memref<1x128xi32, #tpu.memory_space<vmem>> -> memref<128xi32, #tpu.memory_space<vmem>>
    %dma_wait3A_17 = arith.constant 0 : i32
    %dma_wait3A_18 = arith.constant 0 : i32
    %dma_wait3A_19 = tpu.memref_slice %arg4[%dma_wait3A_17, %dma_wait3A_18] : memref<10000x128xf32, #tpu.memory_space<hbm>> -> memref<10000x128xf32, #tpu.memory_space<hbm>>
    tpu.wait_indirect_dma semaphore(%arg14 : memref<!tpu.dma_semaphore, #tpu.memory_space<semaphore_mem>>) src(%dma_wait3A_19 : memref<10000x128xf32, #tpu.memory_space<hbm>>) dst(%arg11 : memref<128x128xf32, #tpu.memory_space<vmem>>)
    %barrier3A_20 = arith.constant 0 : index
    tpu.barrier barrier_id(%barrier3A_20)
    %mul3A_21 = arith.constant 632 : i32
    %mul3A_22 = arith.muli %arg1, %mul3A_21 : i32
    %mul3A_23 = arith.constant 632 : i32
    %mul3A_24 = arith.muli %arg1, %mul3A_23 : i32
    "tpu.region"() ({
      %run_scoped3A = tpu.sem_alloc : memref<!tpu.dma_semaphore, #tpu.memory_space<semaphore_mem>>
      %dma_start3A_25 = arith.constant 0 : i32
      %dma_start3A_26 = tpu.memref_slice %arg6[%arg0, %mul3A_24, %dma_start3A_25] : memref<2x10112x128xf32, #tpu.memory_space<hbm>> -> memref<1x632x128xf32, #tpu.memory_space<hbm>>
      %dma_start3A_27 = tpu.memref_squeeze %dma_start3A_26 : memref<1x632x128xf32, #tpu.memory_space<hbm>> -> memref<632x128xf32, #tpu.memory_space<hbm>>
      %dma_start3A_28 = arith.constant 0 : i32
      %dma_start3A_29 = tpu.memref_slice %arg13[%mul3A_22, %dma_start3A_28] : memref<10112x128xf32, #tpu.memory_space<vmem_shared>> -> memref<632x128xf32, #tpu.memory_space<vmem_shared>>
      tpu.enqueue_dma source(%dma_start3A_29 : memref<632x128xf32, #tpu.memory_space<vmem_shared>>) target(%dma_start3A_27 : memref<632x128xf32, #tpu.memory_space<hbm>>) target_semaphore(%run_scoped3A : memref<!tpu.dma_semaphore, #tpu.memory_space<semaphore_mem>>)
      %dma_wait3A_30 = arith.constant 0 : i32
      %dma_wait3A_31 = tpu.memref_slice %arg6[%arg0, %mul3A_24, %dma_wait3A_30] : memref<2x10112x128xf32, #tpu.memory_space<hbm>> -> memref<1x632x128xf32, #tpu.memory_space<hbm>>
      %dma_wait3A_32 = tpu.memref_squeeze %dma_wait3A_31 : memref<1x632x128xf32, #tpu.memory_space<hbm>> -> memref<632x128xf32, #tpu.memory_space<hbm>>
      %dma_wait3A_33 = arith.constant 0 : i32
      %dma_wait3A_34 = tpu.memref_slice %arg13[%mul3A_22, %dma_wait3A_33] : memref<10112x128xf32, #tpu.memory_space<vmem_shared>> -> memref<632x128xf32, #tpu.memory_space<vmem_shared>>
      tpu.wait_dma2 semaphore(%run_scoped3A : memref<!tpu.dma_semaphore, #tpu.memory_space<semaphore_mem>>) src(%dma_wait3A_34 : memref<632x128xf32, #tpu.memory_space<vmem_shared>>) dst(%dma_wait3A_32 : memref<632x128xf32, #tpu.memory_space<hbm>>)
      tpu.yield
    }) : () -> ()
    return
  }
}

#map = affine_map<(d0, d1) -> (0, 0, 0)>
#map1 = affine_map<(d0, d1) -> (0, 0)>
module attributes {stable_mosaic.version = 14 : i64} {
  func.func @k(%arg0: i32, %arg1: i32, %arg2: memref<32x82x128xi32, #tpu.memory_space<hbm>>, %arg3: memref<32x82x128xi32, #tpu.memory_space<hbm>>, %arg4: memref<10000x128xf32, #tpu.memory_space<hbm>>, %arg5: memref<632x128xf32, #tpu.memory_space<hbm>>, %arg6: memref<2x10112x128xf32, #tpu.memory_space<hbm>>, %arg7: memref<1x128xi32, #tpu.memory_space<vmem>>, %arg8: memref<1x128xi32, #tpu.memory_space<vmem>>, %arg9: memref<1x128xi32, #tpu.memory_space<vmem>>, %arg10: memref<1x128xi32, #tpu.memory_space<vmem>>, %arg11: memref<128x128xf32, #tpu.memory_space<vmem>>, %arg12: memref<128x128xf32, #tpu.memory_space<vmem>>, %arg13: memref<10112x128xf32, #tpu.memory_space<vmem_shared>>, %arg14: memref<!tpu.dma_semaphore, #tpu.memory_space<semaphore_mem>>, %arg15: memref<!tpu.dma_semaphore, #tpu.memory_space<semaphore_mem>>) attributes {dimension_semantics = [#tpu.dimension_semantics<core_parallel>, #tpu.dimension_semantics<subcore_parallel>], iteration_bounds = array<i64: 2, 16>, scalar_prefetch = 0 : i64, scratch_operands = 9 : i64, tpu.core_type = #tpu.core_type<sc_vector_subcore>, window_params = [{transform_indices = #map}, {transform_indices = #map}, {transform_indices = #map1}, {transform_indices = #map1}, {transform_indices = #map}]} {
    %mul3A = arith.constant 16 : i32
    %mul3A_0 = arith.muli %arg0, %mul3A : i32
    %add3A = arith.addi %mul3A_0, %arg1 : i32
    "tpu.region"() ({
      %run_scoped3A = tpu.sem_alloc : memref<!tpu.dma_semaphore, #tpu.memory_space<semaphore_mem>>
      %dma_start3A_25 = arith.constant 0 : i32
      %dma_start3A_26 = arith.constant 0 : i32
      %dma_start3A_27 = tpu.memref_slice %arg2[%add3A, %dma_start3A_25, %dma_start3A_26] : memref<32x82x128xi32, #tpu.memory_space<hbm>> -> memref<1x1x128xi32, #tpu.memory_space<hbm>>
      %dma_start3A_28 = tpu.memref_squeeze %dma_start3A_27 : memref<1x1x128xi32, #tpu.memory_space<hbm>> -> memref<1x128xi32, #tpu.memory_space<hbm>>
      %dma_start3A_29 = arith.constant 0 : i32
      %dma_start3A_30 = arith.constant 0 : i32
      %dma_start3A_31 = tpu.memref_slice %arg2[%add3A, %dma_start3A_29, %dma_start3A_30] : memref<32x82x128xi32, #tpu.memory_space<hbm>> -> memref<1x1x128xi32, #tpu.memory_space<hbm>>
      %dma_start3A_32 = tpu.memref_squeeze %dma_start3A_31 : memref<1x1x128xi32, #tpu.memory_space<hbm>> -> memref<1x128xi32, #tpu.memory_space<hbm>>
      tpu.enqueue_dma source(%dma_start3A_32 : memref<1x128xi32, #tpu.memory_space<hbm>>) target(%arg7 : memref<1x128xi32, #tpu.memory_space<vmem>>) target_semaphore(%run_scoped3A : memref<!tpu.dma_semaphore, #tpu.memory_space<semaphore_mem>>)
      %dma_wait3A_33 = arith.constant 0 : i32
      %dma_wait3A_34 = arith.constant 0 : i32
      %dma_wait3A_35 = tpu.memref_slice %arg2[%add3A, %dma_wait3A_33, %dma_wait3A_34] : memref<32x82x128xi32, #tpu.memory_space<hbm>> -> memref<1x1x128xi32, #tpu.memory_space<hbm>>
      %dma_wait3A_36 = tpu.memref_squeeze %dma_wait3A_35 : memref<1x1x128xi32, #tpu.memory_space<hbm>> -> memref<1x128xi32, #tpu.memory_space<hbm>>
      %dma_wait3A_37 = arith.constant 0 : i32
      %dma_wait3A_38 = arith.constant 0 : i32
      %dma_wait3A_39 = tpu.memref_slice %arg2[%add3A, %dma_wait3A_37, %dma_wait3A_38] : memref<32x82x128xi32, #tpu.memory_space<hbm>> -> memref<1x1x128xi32, #tpu.memory_space<hbm>>
      %dma_wait3A_40 = tpu.memref_squeeze %dma_wait3A_39 : memref<1x1x128xi32, #tpu.memory_space<hbm>> -> memref<1x128xi32, #tpu.memory_space<hbm>>
      tpu.wait_dma2 semaphore(%run_scoped3A : memref<!tpu.dma_semaphore, #tpu.memory_space<semaphore_mem>>) src(%dma_wait3A_40 : memref<1x128xi32, #tpu.memory_space<hbm>>) dst(%arg7 : memref<1x128xi32, #tpu.memory_space<vmem>>)
      tpu.yield
    }) : () -> ()
    "tpu.region"() ({
      %run_scoped3A = tpu.sem_alloc : memref<!tpu.dma_semaphore, #tpu.memory_space<semaphore_mem>>
      %dma_start3A_25 = arith.constant 0 : i32
      %dma_start3A_26 = arith.constant 0 : i32
      %dma_start3A_27 = tpu.memref_slice %arg3[%add3A, %dma_start3A_25, %dma_start3A_26] : memref<32x82x128xi32, #tpu.memory_space<hbm>> -> memref<1x1x128xi32, #tpu.memory_space<hbm>>
      %dma_start3A_28 = tpu.memref_squeeze %dma_start3A_27 : memref<1x1x128xi32, #tpu.memory_space<hbm>> -> memref<1x128xi32, #tpu.memory_space<hbm>>
      %dma_start3A_29 = arith.constant 0 : i32
      %dma_start3A_30 = arith.constant 0 : i32
      %dma_start3A_31 = tpu.memref_slice %arg3[%add3A, %dma_start3A_29, %dma_start3A_30] : memref<32x82x128xi32, #tpu.memory_space<hbm>> -> memref<1x1x128xi32, #tpu.memory_space<hbm>>
      %dma_start3A_32 = tpu.memref_squeeze %dma_start3A_31 : memref<1x1x128xi32, #tpu.memory_space<hbm>> -> memref<1x128xi32, #tpu.memory_space<hbm>>
      tpu.enqueue_dma source(%dma_start3A_32 : memref<1x128xi32, #tpu.memory_space<hbm>>) target(%arg9 : memref<1x128xi32, #tpu.memory_space<vmem>>) target_semaphore(%run_scoped3A : memref<!tpu.dma_semaphore, #tpu.memory_space<semaphore_mem>>)
      %dma_wait3A_33 = arith.constant 0 : i32
      %dma_wait3A_34 = arith.constant 0 : i32
      %dma_wait3A_35 = tpu.memref_slice %arg3[%add3A, %dma_wait3A_33, %dma_wait3A_34] : memref<32x82x128xi32, #tpu.memory_space<hbm>> -> memref<1x1x128xi32, #tpu.memory_space<hbm>>
      %dma_wait3A_36 = tpu.memref_squeeze %dma_wait3A_35 : memref<1x1x128xi32, #tpu.memory_space<hbm>> -> memref<1x128xi32, #tpu.memory_space<hbm>>
      %dma_wait3A_37 = arith.constant 0 : i32
      %dma_wait3A_38 = arith.constant 0 : i32
      %dma_wait3A_39 = tpu.memref_slice %arg3[%add3A, %dma_wait3A_37, %dma_wait3A_38] : memref<32x82x128xi32, #tpu.memory_space<hbm>> -> memref<1x1x128xi32, #tpu.memory_space<hbm>>
      %dma_wait3A_40 = tpu.memref_squeeze %dma_wait3A_39 : memref<1x1x128xi32, #tpu.memory_space<hbm>> -> memref<1x128xi32, #tpu.memory_space<hbm>>
      tpu.wait_dma2 semaphore(%run_scoped3A : memref<!tpu.dma_semaphore, #tpu.memory_space<semaphore_mem>>) src(%dma_wait3A_40 : memref<1x128xi32, #tpu.memory_space<hbm>>) dst(%arg9 : memref<1x128xi32, #tpu.memory_space<vmem>>)
      tpu.yield
    }) : () -> ()
    %dma_start3A = arith.constant 0 : i32
    %dma_start3A_1 = arith.constant 0 : i32
    %dma_start3A_2 = tpu.memref_slice %arg7[%dma_start3A, %dma_start3A_1] : memref<1x128xi32, #tpu.memory_space<vmem>> -> memref<1x128xi32, #tpu.memory_space<vmem>>
    %dma_start3A_3 = tpu.memref_squeeze %dma_start3A_2 : memref<1x128xi32, #tpu.memory_space<vmem>> -> memref<128xi32, #tpu.memory_space<vmem>>
    %dma_start3A_4 = arith.constant 0 : i32
    %dma_start3A_5 = arith.constant 0 : i32
    %dma_start3A_6 = tpu.memref_slice %arg4[%dma_start3A_4, %dma_start3A_5] : memref<10000x128xf32, #tpu.memory_space<hbm>> -> memref<10000x128xf32, #tpu.memory_space<hbm>>
    tpu.enqueue_indirect_dma source(%dma_start3A_6 : memref<10000x128xf32, #tpu.memory_space<hbm>>) target(%arg11 : memref<128x128xf32, #tpu.memory_space<vmem>>) offsets(%dma_start3A_3 : memref<128xi32, #tpu.memory_space<vmem>>) semaphore(%arg14 : memref<!tpu.dma_semaphore, #tpu.memory_space<semaphore_mem>>)
    %mul3A_7 = arith.constant 632 : i32
    %mul3A_8 = arith.muli %arg1, %mul3A_7 : i32
    "tpu.region"() ({
      %run_scoped3A = tpu.sem_alloc : memref<!tpu.dma_semaphore, #tpu.memory_space<semaphore_mem>>
      %dma_start3A_25 = arith.constant 0 : i32
      %dma_start3A_26 = tpu.memref_slice %arg13[%mul3A_8, %dma_start3A_25] : memref<10112x128xf32, #tpu.memory_space<vmem_shared>> -> memref<632x128xf32, #tpu.memory_space<vmem_shared>>
      tpu.enqueue_dma source(%arg5 : memref<632x128xf32, #tpu.memory_space<hbm>>) target(%dma_start3A_26 : memref<632x128xf32, #tpu.memory_space<vmem_shared>>) target_semaphore(%run_scoped3A : memref<!tpu.dma_semaphore, #tpu.memory_space<semaphore_mem>>)
      %dma_wait3A_27 = arith.constant 0 : i32
      %dma_wait3A_28 = tpu.memref_slice %arg13[%mul3A_8, %dma_wait3A_27] : memref<10112x128xf32, #tpu.memory_space<vmem_shared>> -> memref<632x128xf32, #tpu.memory_space<vmem_shared>>
      tpu.wait_dma2 semaphore(%run_scoped3A : memref<!tpu.dma_semaphore, #tpu.memory_space<semaphore_mem>>) src(%arg5 : memref<632x128xf32, #tpu.memory_space<hbm>>) dst(%dma_wait3A_28 : memref<632x128xf32, #tpu.memory_space<vmem_shared>>)
      tpu.yield
    }) : () -> ()
    %barrier3A = arith.constant 0 : index
    tpu.barrier barrier_id(%barrier3A)
    %scan3A = arith.constant 0 : i32
    %scan3A_9 = arith.constant 0 : i32
    %scan3A_10 = arith.constant 40 : i32
    %scan3A_11 = arith.addi %scan3A_9, %scan3A_10 : i32
    %scan3A_12 = arith.constant 1 : i32
    scf.for %scan3A_25 = %scan3A_9 to %scan3A_11 step %scan3A_12  : i32 {
      %mul3A_26 = arith.constant 2 : i32
      %mul3A_27 = arith.muli %mul3A_26, %scan3A_25 : i32
      %add3A_28 = arith.constant 0 : i32
      %add3A_29 = arith.addi %mul3A_27, %add3A_28 : i32
      %add3A_30 = arith.constant 1 : i32
      %add3A_31 = arith.addi %add3A_29, %add3A_30 : i32
      "tpu.region"() ({
        %run_scoped3A_71 = tpu.sem_alloc : memref<!tpu.dma_semaphore, #tpu.memory_space<semaphore_mem>>
        %dma_start3A_72 = arith.constant 0 : i32
        %dma_start3A_73 = tpu.memref_slice %arg2[%add3A, %add3A_31, %dma_start3A_72] : memref<32x82x128xi32, #tpu.memory_space<hbm>> -> memref<1x1x128xi32, #tpu.memory_space<hbm>>
        %dma_start3A_74 = tpu.memref_squeeze %dma_start3A_73 : memref<1x1x128xi32, #tpu.memory_space<hbm>> -> memref<1x128xi32, #tpu.memory_space<hbm>>
        %dma_start3A_75 = arith.constant 0 : i32
        %dma_start3A_76 = tpu.memref_slice %arg2[%add3A, %add3A_31, %dma_start3A_75] : memref<32x82x128xi32, #tpu.memory_space<hbm>> -> memref<1x1x128xi32, #tpu.memory_space<hbm>>
        %dma_start3A_77 = tpu.memref_squeeze %dma_start3A_76 : memref<1x1x128xi32, #tpu.memory_space<hbm>> -> memref<1x128xi32, #tpu.memory_space<hbm>>
        tpu.enqueue_dma source(%dma_start3A_77 : memref<1x128xi32, #tpu.memory_space<hbm>>) target(%arg8 : memref<1x128xi32, #tpu.memory_space<vmem>>) target_semaphore(%run_scoped3A_71 : memref<!tpu.dma_semaphore, #tpu.memory_space<semaphore_mem>>)
        %dma_wait3A_78 = arith.constant 0 : i32
        %dma_wait3A_79 = tpu.memref_slice %arg2[%add3A, %add3A_31, %dma_wait3A_78] : memref<32x82x128xi32, #tpu.memory_space<hbm>> -> memref<1x1x128xi32, #tpu.memory_space<hbm>>
        %dma_wait3A_80 = tpu.memref_squeeze %dma_wait3A_79 : memref<1x1x128xi32, #tpu.memory_space<hbm>> -> memref<1x128xi32, #tpu.memory_space<hbm>>
        %dma_wait3A_81 = arith.constant 0 : i32
        %dma_wait3A_82 = tpu.memref_slice %arg2[%add3A, %add3A_31, %dma_wait3A_81] : memref<32x82x128xi32, #tpu.memory_space<hbm>> -> memref<1x1x128xi32, #tpu.memory_space<hbm>>
        %dma_wait3A_83 = tpu.memref_squeeze %dma_wait3A_82 : memref<1x1x128xi32, #tpu.memory_space<hbm>> -> memref<1x128xi32, #tpu.memory_space<hbm>>
        tpu.wait_dma2 semaphore(%run_scoped3A_71 : memref<!tpu.dma_semaphore, #tpu.memory_space<semaphore_mem>>) src(%dma_wait3A_83 : memref<1x128xi32, #tpu.memory_space<hbm>>) dst(%arg8 : memref<1x128xi32, #tpu.memory_space<vmem>>)
        tpu.yield
      }) : () -> ()
      %add3A_32 = arith.constant 1 : i32
      %add3A_33 = arith.addi %add3A_29, %add3A_32 : i32
      "tpu.region"() ({
        %run_scoped3A_71 = tpu.sem_alloc : memref<!tpu.dma_semaphore, #tpu.memory_space<semaphore_mem>>
        %dma_start3A_72 = arith.constant 0 : i32
        %dma_start3A_73 = tpu.memref_slice %arg3[%add3A, %add3A_33, %dma_start3A_72] : memref<32x82x128xi32, #tpu.memory_space<hbm>> -> memref<1x1x128xi32, #tpu.memory_space<hbm>>
        %dma_start3A_74 = tpu.memref_squeeze %dma_start3A_73 : memref<1x1x128xi32, #tpu.memory_space<hbm>> -> memref<1x128xi32, #tpu.memory_space<hbm>>
        %dma_start3A_75 = arith.constant 0 : i32
        %dma_start3A_76 = tpu.memref_slice %arg3[%add3A, %add3A_33, %dma_start3A_75] : memref<32x82x128xi32, #tpu.memory_space<hbm>> -> memref<1x1x128xi32, #tpu.memory_space<hbm>>
        %dma_start3A_77 = tpu.memref_squeeze %dma_start3A_76 : memref<1x1x128xi32, #tpu.memory_space<hbm>> -> memref<1x128xi32, #tpu.memory_space<hbm>>
        tpu.enqueue_dma source(%dma_start3A_77 : memref<1x128xi32, #tpu.memory_space<hbm>>) target(%arg10 : memref<1x128xi32, #tpu.memory_space<vmem>>) target_semaphore(%run_scoped3A_71 : memref<!tpu.dma_semaphore, #tpu.memory_space<semaphore_mem>>)
        %dma_wait3A_78 = arith.constant 0 : i32
        %dma_wait3A_79 = tpu.memref_slice %arg3[%add3A, %add3A_33, %dma_wait3A_78] : memref<32x82x128xi32, #tpu.memory_space<hbm>> -> memref<1x1x128xi32, #tpu.memory_space<hbm>>
        %dma_wait3A_80 = tpu.memref_squeeze %dma_wait3A_79 : memref<1x1x128xi32, #tpu.memory_space<hbm>> -> memref<1x128xi32, #tpu.memory_space<hbm>>
        %dma_wait3A_81 = arith.constant 0 : i32
        %dma_wait3A_82 = tpu.memref_slice %arg3[%add3A, %add3A_33, %dma_wait3A_81] : memref<32x82x128xi32, #tpu.memory_space<hbm>> -> memref<1x1x128xi32, #tpu.memory_space<hbm>>
        %dma_wait3A_83 = tpu.memref_squeeze %dma_wait3A_82 : memref<1x1x128xi32, #tpu.memory_space<hbm>> -> memref<1x128xi32, #tpu.memory_space<hbm>>
        tpu.wait_dma2 semaphore(%run_scoped3A_71 : memref<!tpu.dma_semaphore, #tpu.memory_space<semaphore_mem>>) src(%dma_wait3A_83 : memref<1x128xi32, #tpu.memory_space<hbm>>) dst(%arg10 : memref<1x128xi32, #tpu.memory_space<vmem>>)
        tpu.yield
      }) : () -> ()
      %dma_start3A_34 = arith.constant 0 : i32
      %dma_start3A_35 = arith.constant 0 : i32
      %dma_start3A_36 = tpu.memref_slice %arg8[%dma_start3A_34, %dma_start3A_35] : memref<1x128xi32, #tpu.memory_space<vmem>> -> memref<1x128xi32, #tpu.memory_space<vmem>>
      %dma_start3A_37 = tpu.memref_squeeze %dma_start3A_36 : memref<1x128xi32, #tpu.memory_space<vmem>> -> memref<128xi32, #tpu.memory_space<vmem>>
      %dma_start3A_38 = arith.constant 0 : i32
      %dma_start3A_39 = arith.constant 0 : i32
      %dma_start3A_40 = tpu.memref_slice %arg4[%dma_start3A_38, %dma_start3A_39] : memref<10000x128xf32, #tpu.memory_space<hbm>> -> memref<10000x128xf32, #tpu.memory_space<hbm>>
      tpu.enqueue_indirect_dma source(%dma_start3A_40 : memref<10000x128xf32, #tpu.memory_space<hbm>>) target(%arg12 : memref<128x128xf32, #tpu.memory_space<vmem>>) offsets(%dma_start3A_37 : memref<128xi32, #tpu.memory_space<vmem>>) semaphore(%arg15 : memref<!tpu.dma_semaphore, #tpu.memory_space<semaphore_mem>>)
      %dma_wait3A_41 = arith.constant 0 : i32
      %dma_wait3A_42 = arith.constant 0 : i32
      %dma_wait3A_43 = tpu.memref_slice %arg7[%dma_wait3A_41, %dma_wait3A_42] : memref<1x128xi32, #tpu.memory_space<vmem>> -> memref<1x128xi32, #tpu.memory_space<vmem>>
      %dma_wait3A_44 = tpu.memref_squeeze %dma_wait3A_43 : memref<1x128xi32, #tpu.memory_space<vmem>> -> memref<128xi32, #tpu.memory_space<vmem>>
      %dma_wait3A_45 = arith.constant 0 : i32
      %dma_wait3A_46 = arith.constant 0 : i32
      %dma_wait3A_47 = tpu.memref_slice %arg4[%dma_wait3A_45, %dma_wait3A_46] : memref<10000x128xf32, #tpu.memory_space<hbm>> -> memref<10000x128xf32, #tpu.memory_space<hbm>>
      tpu.wait_indirect_dma semaphore(%arg14 : memref<!tpu.dma_semaphore, #tpu.memory_space<semaphore_mem>>) src(%dma_wait3A_47 : memref<10000x128xf32, #tpu.memory_space<hbm>>) dst(%arg11 : memref<128x128xf32, #tpu.memory_space<vmem>>)
      %run_scoped3A = arith.constant 0 : i32
      "tpu.region"() ({
        %run_scoped3A_71 = tpu.sem_alloc : memref<!tpu.dma_semaphore, #tpu.memory_space<semaphore_mem>>
        %dma_start3A_72 = arith.constant 0 : i32
        %dma_start3A_73 = tpu.memref_slice %arg9[%run_scoped3A, %dma_start3A_72] : memref<1x128xi32, #tpu.memory_space<vmem>> -> memref<1x128xi32, #tpu.memory_space<vmem>>
        %dma_start3A_74 = tpu.memref_squeeze %dma_start3A_73 : memref<1x128xi32, #tpu.memory_space<vmem>> -> memref<128xi32, #tpu.memory_space<vmem>>
        %dma_start3A_75 = arith.constant 0 : i32
        %dma_start3A_76 = arith.constant 0 : i32
        %dma_start3A_77 = tpu.memref_slice %arg13[%dma_start3A_75, %dma_start3A_76] : memref<10112x128xf32, #tpu.memory_space<vmem_shared>> -> memref<10112x128xf32, #tpu.memory_space<vmem_shared>>
        tpu.enqueue_indirect_dma source(%arg11 : memref<128x128xf32, #tpu.memory_space<vmem>>) target(%dma_start3A_77 : memref<10112x128xf32, #tpu.memory_space<vmem_shared>>) offsets(%dma_start3A_74 : memref<128xi32, #tpu.memory_space<vmem>>) semaphore(%run_scoped3A_71 : memref<!tpu.dma_semaphore, #tpu.memory_space<semaphore_mem>>) {add = true}
        %dma_wait3A_78 = arith.constant 0 : i32
        %dma_wait3A_79 = tpu.memref_slice %arg9[%run_scoped3A, %dma_wait3A_78] : memref<1x128xi32, #tpu.memory_space<vmem>> -> memref<1x128xi32, #tpu.memory_space<vmem>>
        %dma_wait3A_80 = tpu.memref_squeeze %dma_wait3A_79 : memref<1x128xi32, #tpu.memory_space<vmem>> -> memref<128xi32, #tpu.memory_space<vmem>>
        %dma_wait3A_81 = arith.constant 0 : i32
        %dma_wait3A_82 = arith.constant 0 : i32
        %dma_wait3A_83 = tpu.memref_slice %arg13[%dma_wait3A_81, %dma_wait3A_82] : memref<10112x128xf32, #tpu.memory_space<vmem_shared>> -> memref<10112x128xf32, #tpu.memory_space<vmem_shared>>
        tpu.wait_indirect_dma semaphore(%run_scoped3A_71 : memref<!tpu.dma_semaphore, #tpu.memory_space<semaphore_mem>>) src(%arg11 : memref<128x128xf32, #tpu.memory_space<vmem>>) dst(%dma_wait3A_83 : memref<10112x128xf32, #tpu.memory_space<vmem_shared>>)
        tpu.yield
      }) : () -> ()
      %mul3A_48 = arith.constant 2 : i32
      %mul3A_49 = arith.muli %mul3A_48, %scan3A_25 : i32
      %add3A_50 = arith.constant 1 : i32
      %add3A_51 = arith.addi %mul3A_49, %add3A_50 : i32
      %add3A_52 = arith.constant 1 : i32
      %add3A_53 = arith.addi %add3A_51, %add3A_52 : i32
      "tpu.region"() ({
        %run_scoped3A_71 = tpu.sem_alloc : memref<!tpu.dma_semaphore, #tpu.memory_space<semaphore_mem>>
        %dma_start3A_72 = arith.constant 0 : i32
        %dma_start3A_73 = tpu.memref_slice %arg2[%add3A, %add3A_53, %dma_start3A_72] : memref<32x82x128xi32, #tpu.memory_space<hbm>> -> memref<1x1x128xi32, #tpu.memory_space<hbm>>
        %dma_start3A_74 = tpu.memref_squeeze %dma_start3A_73 : memref<1x1x128xi32, #tpu.memory_space<hbm>> -> memref<1x128xi32, #tpu.memory_space<hbm>>
        %dma_start3A_75 = arith.constant 0 : i32
        %dma_start3A_76 = tpu.memref_slice %arg2[%add3A, %add3A_53, %dma_start3A_75] : memref<32x82x128xi32, #tpu.memory_space<hbm>> -> memref<1x1x128xi32, #tpu.memory_space<hbm>>
        %dma_start3A_77 = tpu.memref_squeeze %dma_start3A_76 : memref<1x1x128xi32, #tpu.memory_space<hbm>> -> memref<1x128xi32, #tpu.memory_space<hbm>>
        tpu.enqueue_dma source(%dma_start3A_77 : memref<1x128xi32, #tpu.memory_space<hbm>>) target(%arg7 : memref<1x128xi32, #tpu.memory_space<vmem>>) target_semaphore(%run_scoped3A_71 : memref<!tpu.dma_semaphore, #tpu.memory_space<semaphore_mem>>)
        %dma_wait3A_78 = arith.constant 0 : i32
        %dma_wait3A_79 = tpu.memref_slice %arg2[%add3A, %add3A_53, %dma_wait3A_78] : memref<32x82x128xi32, #tpu.memory_space<hbm>> -> memref<1x1x128xi32, #tpu.memory_space<hbm>>
        %dma_wait3A_80 = tpu.memref_squeeze %dma_wait3A_79 : memref<1x1x128xi32, #tpu.memory_space<hbm>> -> memref<1x128xi32, #tpu.memory_space<hbm>>
        %dma_wait3A_81 = arith.constant 0 : i32
        %dma_wait3A_82 = tpu.memref_slice %arg2[%add3A, %add3A_53, %dma_wait3A_81] : memref<32x82x128xi32, #tpu.memory_space<hbm>> -> memref<1x1x128xi32, #tpu.memory_space<hbm>>
        %dma_wait3A_83 = tpu.memref_squeeze %dma_wait3A_82 : memref<1x1x128xi32, #tpu.memory_space<hbm>> -> memref<1x128xi32, #tpu.memory_space<hbm>>
        tpu.wait_dma2 semaphore(%run_scoped3A_71 : memref<!tpu.dma_semaphore, #tpu.memory_space<semaphore_mem>>) src(%dma_wait3A_83 : memref<1x128xi32, #tpu.memory_space<hbm>>) dst(%arg7 : memref<1x128xi32, #tpu.memory_space<vmem>>)
        tpu.yield
      }) : () -> ()
      %add3A_54 = arith.constant 1 : i32
      %add3A_55 = arith.addi %add3A_51, %add3A_54 : i32
      "tpu.region"() ({
        %run_scoped3A_71 = tpu.sem_alloc : memref<!tpu.dma_semaphore, #tpu.memory_space<semaphore_mem>>
        %dma_start3A_72 = arith.constant 0 : i32
        %dma_start3A_73 = tpu.memref_slice %arg3[%add3A, %add3A_55, %dma_start3A_72] : memref<32x82x128xi32, #tpu.memory_space<hbm>> -> memref<1x1x128xi32, #tpu.memory_space<hbm>>
        %dma_start3A_74 = tpu.memref_squeeze %dma_start3A_73 : memref<1x1x128xi32, #tpu.memory_space<hbm>> -> memref<1x128xi32, #tpu.memory_space<hbm>>
        %dma_start3A_75 = arith.constant 0 : i32
        %dma_start3A_76 = tpu.memref_slice %arg3[%add3A, %add3A_55, %dma_start3A_75] : memref<32x82x128xi32, #tpu.memory_space<hbm>> -> memref<1x1x128xi32, #tpu.memory_space<hbm>>
        %dma_start3A_77 = tpu.memref_squeeze %dma_start3A_76 : memref<1x1x128xi32, #tpu.memory_space<hbm>> -> memref<1x128xi32, #tpu.memory_space<hbm>>
        tpu.enqueue_dma source(%dma_start3A_77 : memref<1x128xi32, #tpu.memory_space<hbm>>) target(%arg9 : memref<1x128xi32, #tpu.memory_space<vmem>>) target_semaphore(%run_scoped3A_71 : memref<!tpu.dma_semaphore, #tpu.memory_space<semaphore_mem>>)
        %dma_wait3A_78 = arith.constant 0 : i32
        %dma_wait3A_79 = tpu.memref_slice %arg3[%add3A, %add3A_55, %dma_wait3A_78] : memref<32x82x128xi32, #tpu.memory_space<hbm>> -> memref<1x1x128xi32, #tpu.memory_space<hbm>>
        %dma_wait3A_80 = tpu.memref_squeeze %dma_wait3A_79 : memref<1x1x128xi32, #tpu.memory_space<hbm>> -> memref<1x128xi32, #tpu.memory_space<hbm>>
        %dma_wait3A_81 = arith.constant 0 : i32
        %dma_wait3A_82 = tpu.memref_slice %arg3[%add3A, %add3A_55, %dma_wait3A_81] : memref<32x82x128xi32, #tpu.memory_space<hbm>> -> memref<1x1x128xi32, #tpu.memory_space<hbm>>
        %dma_wait3A_83 = tpu.memref_squeeze %dma_wait3A_82 : memref<1x1x128xi32, #tpu.memory_space<hbm>> -> memref<1x128xi32, #tpu.memory_space<hbm>>
        tpu.wait_dma2 semaphore(%run_scoped3A_71 : memref<!tpu.dma_semaphore, #tpu.memory_space<semaphore_mem>>) src(%dma_wait3A_83 : memref<1x128xi32, #tpu.memory_space<hbm>>) dst(%arg9 : memref<1x128xi32, #tpu.memory_space<vmem>>)
        tpu.yield
      }) : () -> ()
      %dma_start3A_56 = arith.constant 0 : i32
      %dma_start3A_57 = arith.constant 0 : i32
      %dma_start3A_58 = tpu.memref_slice %arg7[%dma_start3A_56, %dma_start3A_57] : memref<1x128xi32, #tpu.memory_space<vmem>> -> memref<1x128xi32, #tpu.memory_space<vmem>>
      %dma_start3A_59 = tpu.memref_squeeze %dma_start3A_58 : memref<1x128xi32, #tpu.memory_space<vmem>> -> memref<128xi32, #tpu.memory_space<vmem>>
      %dma_start3A_60 = arith.constant 0 : i32
      %dma_start3A_61 = arith.constant 0 : i32
      %dma_start3A_62 = tpu.memref_slice %arg4[%dma_start3A_60, %dma_start3A_61] : memref<10000x128xf32, #tpu.memory_space<hbm>> -> memref<10000x128xf32, #tpu.memory_space<hbm>>
      tpu.enqueue_indirect_dma source(%dma_start3A_62 : memref<10000x128xf32, #tpu.memory_space<hbm>>) target(%arg11 : memref<128x128xf32, #tpu.memory_space<vmem>>) offsets(%dma_start3A_59 : memref<128xi32, #tpu.memory_space<vmem>>) semaphore(%arg14 : memref<!tpu.dma_semaphore, #tpu.memory_space<semaphore_mem>>)
      %dma_wait3A_63 = arith.constant 0 : i32
      %dma_wait3A_64 = arith.constant 0 : i32
      %dma_wait3A_65 = tpu.memref_slice %arg8[%dma_wait3A_63, %dma_wait3A_64] : memref<1x128xi32, #tpu.memory_space<vmem>> -> memref<1x128xi32, #tpu.memory_space<vmem>>
      %dma_wait3A_66 = tpu.memref_squeeze %dma_wait3A_65 : memref<1x128xi32, #tpu.memory_space<vmem>> -> memref<128xi32, #tpu.memory_space<vmem>>
      %dma_wait3A_67 = arith.constant 0 : i32
      %dma_wait3A_68 = arith.constant 0 : i32
      %dma_wait3A_69 = tpu.memref_slice %arg4[%dma_wait3A_67, %dma_wait3A_68] : memref<10000x128xf32, #tpu.memory_space<hbm>> -> memref<10000x128xf32, #tpu.memory_space<hbm>>
      tpu.wait_indirect_dma semaphore(%arg15 : memref<!tpu.dma_semaphore, #tpu.memory_space<semaphore_mem>>) src(%dma_wait3A_69 : memref<10000x128xf32, #tpu.memory_space<hbm>>) dst(%arg12 : memref<128x128xf32, #tpu.memory_space<vmem>>)
      %run_scoped3A_70 = arith.constant 0 : i32
      "tpu.region"() ({
        %run_scoped3A_71 = tpu.sem_alloc : memref<!tpu.dma_semaphore, #tpu.memory_space<semaphore_mem>>
        %dma_start3A_72 = arith.constant 0 : i32
        %dma_start3A_73 = tpu.memref_slice %arg10[%run_scoped3A_70, %dma_start3A_72] : memref<1x128xi32, #tpu.memory_space<vmem>> -> memref<1x128xi32, #tpu.memory_space<vmem>>
        %dma_start3A_74 = tpu.memref_squeeze %dma_start3A_73 : memref<1x128xi32, #tpu.memory_space<vmem>> -> memref<128xi32, #tpu.memory_space<vmem>>
        %dma_start3A_75 = arith.constant 0 : i32
        %dma_start3A_76 = arith.constant 0 : i32
        %dma_start3A_77 = tpu.memref_slice %arg13[%dma_start3A_75, %dma_start3A_76] : memref<10112x128xf32, #tpu.memory_space<vmem_shared>> -> memref<10112x128xf32, #tpu.memory_space<vmem_shared>>
        tpu.enqueue_indirect_dma source(%arg12 : memref<128x128xf32, #tpu.memory_space<vmem>>) target(%dma_start3A_77 : memref<10112x128xf32, #tpu.memory_space<vmem_shared>>) offsets(%dma_start3A_74 : memref<128xi32, #tpu.memory_space<vmem>>) semaphore(%run_scoped3A_71 : memref<!tpu.dma_semaphore, #tpu.memory_space<semaphore_mem>>) {add = true}
        %dma_wait3A_78 = arith.constant 0 : i32
        %dma_wait3A_79 = tpu.memref_slice %arg10[%run_scoped3A_70, %dma_wait3A_78] : memref<1x128xi32, #tpu.memory_space<vmem>> -> memref<1x128xi32, #tpu.memory_space<vmem>>
        %dma_wait3A_80 = tpu.memref_squeeze %dma_wait3A_79 : memref<1x128xi32, #tpu.memory_space<vmem>> -> memref<128xi32, #tpu.memory_space<vmem>>
        %dma_wait3A_81 = arith.constant 0 : i32
        %dma_wait3A_82 = arith.constant 0 : i32
        %dma_wait3A_83 = tpu.memref_slice %arg13[%dma_wait3A_81, %dma_wait3A_82] : memref<10112x128xf32, #tpu.memory_space<vmem_shared>> -> memref<10112x128xf32, #tpu.memory_space<vmem_shared>>
        tpu.wait_indirect_dma semaphore(%run_scoped3A_71 : memref<!tpu.dma_semaphore, #tpu.memory_space<semaphore_mem>>) src(%arg12 : memref<128x128xf32, #tpu.memory_space<vmem>>) dst(%dma_wait3A_83 : memref<10112x128xf32, #tpu.memory_space<vmem_shared>>)
        tpu.yield
      }) : () -> ()
    }
    %scan3A_13 = arith.constant 40 : i32
    %dma_wait3A = arith.constant 0 : i32
    %dma_wait3A_14 = arith.constant 0 : i32
    %dma_wait3A_15 = tpu.memref_slice %arg7[%dma_wait3A, %dma_wait3A_14] : memref<1x128xi32, #tpu.memory_space<vmem>> -> memref<1x128xi32, #tpu.memory_space<vmem>>
    %dma_wait3A_16 = tpu.memref_squeeze %dma_wait3A_15 : memref<1x128xi32, #tpu.memory_space<vmem>> -> memref<128xi32, #tpu.memory_space<vmem>>
    %dma_wait3A_17 = arith.constant 0 : i32
    %dma_wait3A_18 = arith.constant 0 : i32
    %dma_wait3A_19 = tpu.memref_slice %arg4[%dma_wait3A_17, %dma_wait3A_18] : memref<10000x128xf32, #tpu.memory_space<hbm>> -> memref<10000x128xf32, #tpu.memory_space<hbm>>
    tpu.wait_indirect_dma semaphore(%arg14 : memref<!tpu.dma_semaphore, #tpu.memory_space<semaphore_mem>>) src(%dma_wait3A_19 : memref<10000x128xf32, #tpu.memory_space<hbm>>) dst(%arg11 : memref<128x128xf32, #tpu.memory_space<vmem>>)
    %barrier3A_20 = arith.constant 0 : index
    tpu.barrier barrier_id(%barrier3A_20)
    %mul3A_21 = arith.constant 632 : i32
    %mul3A_22 = arith.muli %arg1, %mul3A_21 : i32
    %mul3A_23 = arith.constant 632 : i32
    %mul3A_24 = arith.muli %arg1, %mul3A_23 : i32
    "tpu.region"() ({
      %run_scoped3A = tpu.sem_alloc : memref<!tpu.dma_semaphore, #tpu.memory_space<semaphore_mem>>
      %dma_start3A_25 = arith.constant 0 : i32
      %dma_start3A_26 = tpu.memref_slice %arg6[%arg0, %mul3A_24, %dma_start3A_25] : memref<2x10112x128xf32, #tpu.memory_space<hbm>> -> memref<1x632x128xf32, #tpu.memory_space<hbm>>
      %dma_start3A_27 = tpu.memref_squeeze %dma_start3A_26 : memref<1x632x128xf32, #tpu.memory_space<hbm>> -> memref<632x128xf32, #tpu.memory_space<hbm>>
      %dma_start3A_28 = arith.constant 0 : i32
      %dma_start3A_29 = tpu.memref_slice %arg13[%mul3A_22, %dma_start3A_28] : memref<10112x128xf32, #tpu.memory_space<vmem_shared>> -> memref<632x128xf32, #tpu.memory_space<vmem_shared>>
      tpu.enqueue_dma source(%dma_start3A_29 : memref<632x128xf32, #tpu.memory_space<vmem_shared>>) target(%dma_start3A_27 : memref<632x128xf32, #tpu.memory_space<hbm>>) target_semaphore(%run_scoped3A : memref<!tpu.dma_semaphore, #tpu.memory_space<semaphore_mem>>)
      %dma_wait3A_30 = arith.constant 0 : i32
      %dma_wait3A_31 = tpu.memref_slice %arg6[%arg0, %mul3A_24, %dma_wait3A_30] : memref<2x10112x128xf32, #tpu.memory_space<hbm>> -> memref<1x632x128xf32, #tpu.memory_space<hbm>>
      %dma_wait3A_32 = tpu.memref_squeeze %dma_wait3A_31 : memref<1x632x128xf32, #tpu.memory_space<hbm>> -> memref<632x128xf32, #tpu.memory_space<hbm>>
      %dma_wait3A_33 = arith.constant 0 : i32
      %dma_wait3A_34 = tpu.memref_slice %arg13[%mul3A_22, %dma_wait3A_33] : memref<10112x128xf32, #tpu.memory_space<vmem_shared>> -> memref<632x128xf32, #tpu.memory_space<vmem_shared>>
      tpu.wait_dma2 semaphore(%run_scoped3A : memref<!tpu.dma_semaphore, #tpu.memory_space<semaphore_mem>>) src(%dma_wait3A_34 : memref<632x128xf32, #tpu.memory_space<vmem_shared>>) dst(%dma_wait3A_32 : memref<632x128xf32, #tpu.memory_space<hbm>>)
      tpu.yield
    }) : () -> ()
    return
  }
}

module attributes {stable_mosaic.version = 14 : i64} {
  func.func @_dense_body(%arg0: i32, %arg1: memref<1000x128xf32, #tpu.memory_space<vmem>>, %arg2: memref<2x1000x128xf32, #tpu.memory_space<vmem>>, %arg3: memref<128x128xf32, #tpu.memory_space<vmem>>, %arg4: memref<128x128xf32, #tpu.memory_space<vmem>>, %arg5: memref<1x128xf32, #tpu.memory_space<vmem>>, %arg6: memref<1000x128xf32, #tpu.memory_space<vmem>>) attributes {dimension_semantics = [#tpu.dimension_semantics<arbitrary>], iteration_bounds = array<i64: 10>, scalar_prefetch = 0 : i64, scratch_operands = 0 : i64, tpu.core_type = #tpu.core_type<tc>, window_params = [{transform_indices = @transform_0, window_bounds = array<i64: 1000, 128>}, {transform_indices = @transform_1, window_bounds = array<i64: 2, 1000, 128>}, {pipeline_mode = #tpu.pipeline_mode<synchronous>, transform_indices = @transform_2, window_bounds = array<i64: 128, 128>}, {pipeline_mode = #tpu.pipeline_mode<synchronous>, transform_indices = @transform_3, window_bounds = array<i64: 128, 128>}, {pipeline_mode = #tpu.pipeline_mode<synchronous>, transform_indices = @transform_4, window_bounds = array<i64: 1, 128>}, {transform_indices = @transform_5, window_bounds = array<i64: 1000, 128>}]} {
    %get3A = arith.constant 0 : index
    %get3A_0 = arith.constant 0 : index
    %get3A_1 = arith.constant 0 : index
    %get3A_2 = vector.load %arg2[%get3A, %get3A_0, %get3A_1] : memref<2x1000x128xf32, #tpu.memory_space<vmem>>, vector<1x1000x128xf32>
    %get3A_3 = vector.shape_cast %get3A_2 : vector<1x1000x128xf32> to vector<1000x128xf32>
    %get3A_4 = arith.constant 1 : index
    %get3A_5 = arith.constant 0 : index
    %get3A_6 = arith.constant 0 : index
    %get3A_7 = vector.load %arg2[%get3A_4, %get3A_5, %get3A_6] : memref<2x1000x128xf32, #tpu.memory_space<vmem>>, vector<1x1000x128xf32>
    %get3A_8 = vector.shape_cast %get3A_7 : vector<1x1000x128xf32> to vector<1000x128xf32>
    %add3A = arith.addf %get3A_3, %get3A_8 : vector<1000x128xf32>
    %get3A_9 = arith.constant 0 : index
    %get3A_10 = arith.constant 0 : index
    %get3A_11 = vector.load %arg1[%get3A_9, %get3A_10] : memref<1000x128xf32, #tpu.memory_space<vmem>>, vector<1000x128xf32>
    %get3A_12 = arith.constant 0 : index
    %get3A_13 = arith.constant 0 : index
    %get3A_14 = vector.load %arg3[%get3A_12, %get3A_13] : memref<128x128xf32, #tpu.memory_space<vmem>>, vector<128x128xf32>
    %dot_general3A = arith.constant dense<0.000000e+00> : vector<1000x128xf32>
    %dot_general3A_15 = tpu.matmul %get3A_11, %get3A_14, %dot_general3A {dimension_numbers = #tpu.dot_dimension_numbers<[1], [0], [0], [1], [0, 0, 1, 1], [], []>, transpose_lhs_hint = false} : vector<1000x128xf32>, vector<128x128xf32>, vector<1000x128xf32> -> vector<1000x128xf32>
    %get3A_16 = arith.constant 0 : index
    %get3A_17 = arith.constant 0 : index
    %get3A_18 = vector.load %arg4[%get3A_16, %get3A_17] : memref<128x128xf32, #tpu.memory_space<vmem>>, vector<128x128xf32>
    %dot_general3A_19 = arith.constant dense<0.000000e+00> : vector<1000x128xf32>
    %dot_general3A_20 = tpu.matmul %add3A, %get3A_18, %dot_general3A_19 {dimension_numbers = #tpu.dot_dimension_numbers<[1], [0], [0], [1], [0, 0, 1, 1], [], []>, transpose_lhs_hint = false} : vector<1000x128xf32>, vector<128x128xf32>, vector<1000x128xf32> -> vector<1000x128xf32>
    %add3A_21 = arith.addf %dot_general3A_15, %dot_general3A_20 : vector<1000x128xf32>
    %get3A_22 = arith.constant 0 : index
    %get3A_23 = arith.constant 0 : index
    %get3A_24 = vector.load %arg5[%get3A_22, %get3A_23] : memref<1x128xf32, #tpu.memory_space<vmem>>, vector<1x128xf32>
    %add3A_25 = vector.broadcast %get3A_24 : vector<1x128xf32> to vector<1000x128xf32>
    %add3A_26 = arith.addf %add3A_21, %add3A_25 : vector<1000x128xf32>
    %max3A = arith.constant 0.000000e+00 : f32
    %max3A_27 = vector.broadcast %max3A : f32 to vector<1000x128xf32>
    %max3A_28 = arith.maximumf %add3A_26, %max3A_27 : vector<1000x128xf32>
    %swap3A = arith.constant 0 : index
    %swap3A_29 = arith.constant 0 : index
    %swap3A_30 = vector.load %arg6[%swap3A, %swap3A_29] : memref<1000x128xf32, #tpu.memory_space<vmem>>, vector<1000x128xf32>
    tpu.vector_store %arg6[%swap3A, %swap3A_29], %max3A_28 {strides = array<i32>} : memref<1000x128xf32, #tpu.memory_space<vmem>>, vector<1000x128xf32>,
    return
  }
  func.func @transform_0(%arg0: i32) -> (i32, i32) {
    %c0_i32 = arith.constant 0 : i32
    %c0_i32_0 = arith.constant 0 : i32
    return %arg0, %c0_i32 : i32, i32
  }
  func.func @transform_1(%arg0: i32) -> (i32, i32, i32) {
    %c0_i32 = arith.constant 0 : i32
    %c0_i32_0 = arith.constant 0 : i32
    %c0_i32_1 = arith.constant 0 : i32
    return %c0_i32, %arg0, %c0_i32_0 : i32, i32, i32
  }
  func.func @transform_2(%arg0: i32) -> (i32, i32) {
    %c0_i32 = arith.constant 0 : i32
    %c0_i32_0 = arith.constant 0 : i32
    %c0_i32_1 = arith.constant 0 : i32
    return %c0_i32, %c0_i32_0 : i32, i32
  }
  func.func @transform_3(%arg0: i32) -> (i32, i32) {
    %c0_i32 = arith.constant 0 : i32
    %c0_i32_0 = arith.constant 0 : i32
    %c0_i32_1 = arith.constant 0 : i32
    return %c0_i32, %c0_i32_0 : i32, i32
  }
  func.func @transform_4(%arg0: i32) -> (i32, i32) {
    %c0_i32 = arith.constant 0 : i32
    %c0_i32_0 = arith.constant 0 : i32
    %c0_i32_1 = arith.constant 0 : i32
    return %c0_i32, %c0_i32_0 : i32, i32
  }
  func.func @transform_5(%arg0: i32) -> (i32, i32) {
    %c0_i32 = arith.constant 0 : i32
    %c0_i32_0 = arith.constant 0 : i32
    return %arg0, %c0_i32 : i32, i32
  }
}

module attributes {stable_mosaic.version = 14 : i64} {
  func.func @_dense_res_body(%arg0: i32, %arg1: memref<1000x128xf32, #tpu.memory_space<vmem>>, %arg2: memref<2x1000x128xf32, #tpu.memory_space<vmem>>, %arg3: memref<128x128xf32, #tpu.memory_space<vmem>>, %arg4: memref<128x128xf32, #tpu.memory_space<vmem>>, %arg5: memref<1x128xf32, #tpu.memory_space<vmem>>, %arg6: memref<1000x128xf32, #tpu.memory_space<vmem>>, %arg7: memref<1000x128xf32, #tpu.memory_space<vmem>>) attributes {dimension_semantics = [#tpu.dimension_semantics<arbitrary>], iteration_bounds = array<i64: 10>, scalar_prefetch = 0 : i64, scratch_operands = 0 : i64, tpu.core_type = #tpu.core_type<tc>, window_params = [{transform_indices = @transform_0, window_bounds = array<i64: 1000, 128>}, {transform_indices = @transform_1, window_bounds = array<i64: 2, 1000, 128>}, {pipeline_mode = #tpu.pipeline_mode<synchronous>, transform_indices = @transform_2, window_bounds = array<i64: 128, 128>}, {pipeline_mode = #tpu.pipeline_mode<synchronous>, transform_indices = @transform_3, window_bounds = array<i64: 128, 128>}, {pipeline_mode = #tpu.pipeline_mode<synchronous>, transform_indices = @transform_4, window_bounds = array<i64: 1, 128>}, {transform_indices = @transform_5, window_bounds = array<i64: 1000, 128>}, {transform_indices = @transform_6, window_bounds = array<i64: 1000, 128>}]} {
    %get3A = arith.constant 0 : index
    %get3A_0 = arith.constant 0 : index
    %get3A_1 = arith.constant 0 : index
    %get3A_2 = vector.load %arg2[%get3A, %get3A_0, %get3A_1] : memref<2x1000x128xf32, #tpu.memory_space<vmem>>, vector<1x1000x128xf32>
    %get3A_3 = vector.shape_cast %get3A_2 : vector<1x1000x128xf32> to vector<1000x128xf32>
    %get3A_4 = arith.constant 1 : index
    %get3A_5 = arith.constant 0 : index
    %get3A_6 = arith.constant 0 : index
    %get3A_7 = vector.load %arg2[%get3A_4, %get3A_5, %get3A_6] : memref<2x1000x128xf32, #tpu.memory_space<vmem>>, vector<1x1000x128xf32>
    %get3A_8 = vector.shape_cast %get3A_7 : vector<1x1000x128xf32> to vector<1000x128xf32>
    %add3A = arith.addf %get3A_3, %get3A_8 : vector<1000x128xf32>
    %get3A_9 = arith.constant 0 : index
    %get3A_10 = arith.constant 0 : index
    %get3A_11 = vector.load %arg1[%get3A_9, %get3A_10] : memref<1000x128xf32, #tpu.memory_space<vmem>>, vector<1000x128xf32>
    %get3A_12 = arith.constant 0 : index
    %get3A_13 = arith.constant 0 : index
    %get3A_14 = vector.load %arg3[%get3A_12, %get3A_13] : memref<128x128xf32, #tpu.memory_space<vmem>>, vector<128x128xf32>
    %dot_general3A = arith.constant dense<0.000000e+00> : vector<1000x128xf32>
    %dot_general3A_15 = tpu.matmul %get3A_11, %get3A_14, %dot_general3A {dimension_numbers = #tpu.dot_dimension_numbers<[1], [0], [0], [1], [0, 0, 1, 1], [], []>, transpose_lhs_hint = false} : vector<1000x128xf32>, vector<128x128xf32>, vector<1000x128xf32> -> vector<1000x128xf32>
    %get3A_16 = arith.constant 0 : index
    %get3A_17 = arith.constant 0 : index
    %get3A_18 = vector.load %arg4[%get3A_16, %get3A_17] : memref<128x128xf32, #tpu.memory_space<vmem>>, vector<128x128xf32>
    %dot_general3A_19 = arith.constant dense<0.000000e+00> : vector<1000x128xf32>
    %dot_general3A_20 = tpu.matmul %add3A, %get3A_18, %dot_general3A_19 {dimension_numbers = #tpu.dot_dimension_numbers<[1], [0], [0], [1], [0, 0, 1, 1], [], []>, transpose_lhs_hint = false} : vector<1000x128xf32>, vector<128x128xf32>, vector<1000x128xf32> -> vector<1000x128xf32>
    %add3A_21 = arith.addf %dot_general3A_15, %dot_general3A_20 : vector<1000x128xf32>
    %get3A_22 = arith.constant 0 : index
    %get3A_23 = arith.constant 0 : index
    %get3A_24 = vector.load %arg5[%get3A_22, %get3A_23] : memref<1x128xf32, #tpu.memory_space<vmem>>, vector<1x128xf32>
    %add3A_25 = vector.broadcast %get3A_24 : vector<1x128xf32> to vector<1000x128xf32>
    %add3A_26 = arith.addf %add3A_21, %add3A_25 : vector<1000x128xf32>
    %get3A_27 = arith.constant 0 : index
    %get3A_28 = arith.constant 0 : index
    %get3A_29 = vector.load %arg6[%get3A_27, %get3A_28] : memref<1000x128xf32, #tpu.memory_space<vmem>>, vector<1000x128xf32>
    %add3A_30 = arith.addf %add3A_26, %get3A_29 : vector<1000x128xf32>
    %max3A = arith.constant 0.000000e+00 : f32
    %max3A_31 = vector.broadcast %max3A : f32 to vector<1000x128xf32>
    %max3A_32 = arith.maximumf %add3A_30, %max3A_31 : vector<1000x128xf32>
    %swap3A = arith.constant 0 : index
    %swap3A_33 = arith.constant 0 : index
    %swap3A_34 = vector.load %arg7[%swap3A, %swap3A_33] : memref<1000x128xf32, #tpu.memory_space<vmem>>, vector<1000x128xf32>
    tpu.vector_store %arg7[%swap3A, %swap3A_33], %max3A_32 {strides = array<i32>} : memref<1000x128xf32, #tpu.memory_space<vmem>>, vector<1000x128xf32>,
    return
  }
  func.func @transform_0(%arg0: i32) -> (i32, i32) {
    %c0_i32 = arith.constant 0 : i32
    %c0_i32_0 = arith.constant 0 : i32
    return %arg0, %c0_i32 : i32, i32
  }
  func.func @transform_1(%arg0: i32) -> (i32, i32, i32) {
    %c0_i32 = arith.constant 0 : i32
    %c0_i32_0 = arith.constant 0 : i32
    %c0_i32_1 = arith.constant 0 : i32
    return %c0_i32, %arg0, %c0_i32_0 : i32, i32, i32
  }
  func.func @transform_2(%arg0: i32) -> (i32, i32) {
    %c0_i32 = arith.constant 0 : i32
    %c0_i32_0 = arith.constant 0 : i32
    %c0_i32_1 = arith.constant 0 : i32
    return %c0_i32, %c0_i32_0 : i32, i32
  }
  func.func @transform_3(%arg0: i32) -> (i32, i32) {
    %c0_i32 = arith.constant 0 : i32
    %c0_i32_0 = arith.constant 0 : i32
    %c0_i32_1 = arith.constant 0 : i32
    return %c0_i32, %c0_i32_0 : i32, i32
  }
  func.func @transform_4(%arg0: i32) -> (i32, i32) {
    %c0_i32 = arith.constant 0 : i32
    %c0_i32_0 = arith.constant 0 : i32
    %c0_i32_1 = arith.constant 0 : i32
    return %c0_i32, %c0_i32_0 : i32, i32
  }
  func.func @transform_5(%arg0: i32) -> (i32, i32) {
    %c0_i32 = arith.constant 0 : i32
    %c0_i32_0 = arith.constant 0 : i32
    return %arg0, %c0_i32 : i32, i32
  }
  func.func @transform_6(%arg0: i32) -> (i32, i32) {
    %c0_i32 = arith.constant 0 : i32
    %c0_i32_0 = arith.constant 0 : i32
    return %arg0, %c0_i32 : i32, i32
  }
}

</mosaic_0001>

<sc_bundles>
// kernel: kernel.11.cloned.1.call-start
scs
__scs_entry_jumppad:
0x0: {  	(pc) =	sbr.rel $0x88, $3  }
0x1: {  	(tag) =	ssettag $0x0;
	lr =	simm.s32 $0x1  }
0x2: {  	[smem:$0x3F9C] =	sst lr;
	_ =	strace $0xD0000000  }
0x3: {  	_ = 	snop  }
0x4: {  	_ = 	snop  }
0x5: {  	_ = 	snop  }
0x6: {  	_ = 	snop  }
0x7: {  	_ = 	snop  }
__scs_overlays_trampoline_lowered:
0x8: {  	[smem:$0x3FAB] =	sst s0  }
0x9: {  	[smem:$0x3FAC] =	sst s1  }
0xa: {  	[smem:$0x3FAD] =	sst s2  }
0xb: {  	[smem:$0x3FAE] =	sst s3  }
0xc: {  	[smem:$0x3FAF] =	sst s4  }
0xd: {  	[smem:$0x3FB0] =	sst s5  }
0xe: {  	[smem:$0x3FB1] =	sst s6  }
0xf: {  	[smem:$0x3FB2] =	sst s7  }
0x10: {  	[smem:$0x3FB3] =	sst s8  }
0x11: {  	[smem:$0x3FB4] =	sst s9;
	s0 =	simm.s32 @!p0 $0x0  }
0x12: {  	s1 =	sld [smem:$0x3F9A];
	s0 =	simm.s32 @p0 $0x1  }
0x13: {  	[smem:$0x3FB5] =	sst s0;
	s0 =	simm.s32 @!p1 $0x0  }
0x14: {  	s2 =	sld [smem:$0x3F99];
	s0 =	simm.s32 @p1 $0x1  }
0x15: {  	[smem:$0x3FB6] =	sst s0;
	s0 =	simm.s32 @!p2 $0x0  }
0x16: {  	s3 =	sld [smem:$0x3FDB];
	s0 =	simm.s32 @p2 $0x1  }
0x17: {  	s4 =	simm.s32 $0x1BF5;
	[smem:$0x3FB8] =	sst s0  }
0x18: {  	s0 =	sld [smem:$0x3F9B];
	_ =	swait.ge [sflag:s4], $0x0  }
0x19: {  	s7 =	sld [smem:$0x3F9C]  }
0x1a: {  	s8 =	sadd.s32 $0xFFFFE003, lr  }
0x1b: {  	s9 =	sadd.s32 $0xFFFFFEF7, lr;
	s5 =	simm.s32 $0xFFFFFFFF;
	p2 =	slt.u32 s8, $0xFFFFF086  }
0x1c: {  	p1 =	slt.u32 s9, $0xF7A;
	s5 =	simm.s32 @!p2 $0x0  }
0x1d: {  	s5 =	simm.s32 @p1 $0x1;
	p0 =	seq.s32 s7, s2  }
0x1e: {  	s7 =	smul.u32 @!p0 $0xF7A, s2;
	p2 =	seq.s32 @!p0 s5, $0x0  }
0x1f: {  	s9 =	smul.u32 $0xF7A, s1;
	s8 =	simm.s32 @!p0 $0x1BF5;
	p2 =	por !p2, p0  }
0x20: {  	[sflag:s8] =	ssyncset.s32 @!p0 $0xFFFFF086;
	s6 =	sadd.s32 @!p0 s3, s7;
	s7 =	simm.s32 @!p0 $0x108  }
0x21: {  	s3 =	sadd.s32 s3, s9;
	s6 =	sadd.s32 @!p0 $0x88, s6;
	s7 =	simm.s32 @p2 $0x1082  }
0x22: {  	[simem:s7], [sflag:s8] =	dma.local @!p0 [hbm:s6], $0xF7A  }
0x23: {  	s9 =	sor.u32 $0xD0000000, s2;
	s6 =	simm.s32 $0x108;
	_ =	swait.ge @!p0 [sflag:s8], $0x0  }
0x24: {  	s3 =	sadd.s32 $0x88, s3;
	s6 =	simm.s32 @!p1 $0x1082;
	[sflag:s4] =	ssyncset.s32 $0xFFFFF086  }
0x25: {  	[simem:s6], [sflag:s4] =	dma.local [hbm:s3], $0xF7A  }
0x26: {  	[smem:$0x3F9C] =	sst s1;
	(tag) =	ssettag s2;
	_ =	strace s9  }
0x27: {  	s1 =	sld [smem:$0x3FAC]  }
0x28: {  	s2 =	sld [smem:$0x3FAD]  }
0x29: {  	s4 =	sld [smem:$0x3FAF]  }
0x2a: {  	p0 =	seq.s32 s5, $0x0;
	s5 =	sld [smem:$0x3FB0]  }
0x2b: {  	s6 =	sld [smem:$0x3FB1]  }
0x2c: {  	s7 =	sld [smem:$0x3FB2]  }
0x2d: {  	s3 =	simm.s32 $0x108;
	s8 =	sld [smem:$0x3FB3]  }
0x2e: {  	s3 =	simm.s32 @!p0 $0x1082;
	s9 =	sld [smem:$0x3FB4]  }
0x2f: {  	lr =	sadd.s32 s0, s3;
	s0 =	sld [smem:$0x3FAB]  }
0x30: {  	s3 =	sld [smem:$0x3FAE]  }
0x31: {  	[smem:$0x3FB7] =	sst s10  }
0x32: {  	s10 =	sld [smem:$0x3FB5];
	_ =	sdelay $0x3  }
0x33: {  	p0 =	seq.s32 s10, $0x1;
	s10 =	sld [smem:$0x3FB7];
	_ =	sdelay $0x3  }
0x34: {  	[smem:$0x3FB7] =	sst s10  }
0x35: {  	s10 =	sld [smem:$0x3FB6];
	_ =	sdelay $0x3  }
0x36: {  	p1 =	seq.s32 s10, $0x1;
	s10 =	sld [smem:$0x3FB7];
	_ =	sdelay $0x3  }
0x37: {  	[smem:$0x3FB7] =	sst s10  }
0x38: {  	s10 =	sld [smem:$0x3FB8]  }
0x39: {  	_ = 	snop;
	(pc) =	sbr.ind lr, $3  }
0x3a: {  	_ = 	snop  }
0x3b: {  	_ = 	snop  }
0x3c: {  	p2 =	seq.s32 s10, $0x1;
	s10 =	sld [smem:$0x3FB7]  }
0x3d: {  	_ =	shalt  }
0x3e: {  	_ =	shalt  }
0x3f: {  	_ =	shalt  }
0x40: {  	_ =	shalt  }
0x41: {  	_ =	shalt  }
0x42: {  	_ =	shalt  }
0x43: {  	_ =	shalt  }
0x44: {  	_ =	shalt  }
0x45: {  	_ =	shalt  }
0x46: {  	_ =	shalt  }
0x47: {  	_ =	shalt  }
0x48: {  	_ =	shalt  }
0x49: {  	_ =	shalt  }
0x4a: {  	_ =	shalt  }
0x4b: {  	_ =	shalt  }
0x4c: {  	_ =	shalt  }
0x4d: {  	_ =	shalt  }
0x4e: {  	_ =	shalt  }
0x4f: {  	_ =	shalt  }
0x50: {  	_ =	shalt  }
0x51: {  	_ =	shalt  }
0x52: {  	_ =	shalt  }
0x53: {  	_ =	shalt  }
0x54: {  	_ =	shalt  }
0x55: {  	_ =	shalt  }
0x56: {  	_ =	shalt  }
0x57: {  	_ =	shalt  }
0x58: {  	_ =	shalt  }
0x59: {  	_ =	shalt  }
0x5a: {  	_ =	shalt  }
0x5b: {  	_ =	shalt  }
0x5c: {  	_ =	shalt  }
0x5d: {  	_ =	shalt  }
0x5e: {  	_ =	shalt  }
0x5f: {  	_ =	shalt  }
0x60: {  	_ =	shalt  }
0x61: {  	_ =	shalt  }
0x62: {  	_ =	shalt  }
0x63: {  	_ =	shalt  }
0x64: {  	_ =	shalt  }
0x65: {  	_ =	shalt  }
0x66: {  	_ =	shalt  }
0x67: {  	_ =	shalt  }
0x68: {  	_ =	shalt  }
0x69: {  	_ =	shalt  }
0x6a: {  	_ =	shalt  }
0x6b: {  	_ =	shalt  }
0x6c: {  	_ =	shalt  }
0x6d: {  	_ =	shalt  }
0x6e: {  	_ =	shalt  }
0x6f: {  	_ =	shalt  }
0x70: {  	_ =	shalt  }
0x71: {  	_ =	shalt  }
0x72: {  	_ =	shalt  }
0x73: {  	_ =	shalt  }
0x74: {  	_ =	shalt  }
0x75: {  	_ =	shalt  }
0x76: {  	_ =	shalt  }
0x77: {  	_ =	shalt  }
0x78: {  	_ =	shalt  }
0x79: {  	_ =	shalt  }
0x7a: {  	_ =	shalt  }
0x7b: {  	_ =	shalt  }
0x7c: {  	_ =	shalt  }
0x7d: {  	_ =	shalt  }
0x7e: {  	_ =	shalt  }
0x7f: {  	_ =	shalt  }
0x80: {  	_ =	shalt  }
0x81: {  	_ =	shalt  }
0x82: {  	_ =	shalt  }
0x83: {  	_ =	shalt  }
0x84: {  	_ =	shalt  }
0x85: {  	_ =	shalt  }
0x86: {  	_ =	shalt  }
0x87: {  	_ =	shalt  }
.Lfunc_end0:
.L_simem_size_0:
called_computation.1_lowered:
.L_overlay_start_0:
0x88: {  	s2 =	sld [smem:$0x3FD9]  }
0x89: {  	s3 =	sld [smem:$0x3FFE];
	_ =	sdelay $0x1  }
0x8a: {  	s1 =	srdreg.scid  }
0x8b: {  	s0 =	sand.u32 $0x1, s1  }
0x8c: {  	s17 =	sshll.u32 s0, $0xA;
	s2 =	sadd.s32 s3, s2  }
0x8d: {  	s2 =	sadd.s32 s2, s17  }
0x8e: {  	[smem:$0x3FC3] =	sst s2  }
0x8f: {  	_ = 	snop  }
0x90: {  	s2 =	sld [smem:$0x3FD0];
	(tm) =	ssettm $0x1  }
0x91: {  	s18 =	sld [smem:$0x3FFB];
	_ =	sdelay $0x3  }
0x92: {  	_ =	strace s18  }
0x93: {  	s3 =	sld [smem:$0x3FFC];
	_ =	sdelay $0x3  }
0x94: {  	_ =	strace s3  }
0x95: {  	s3 =	sld [smem:$0x3FFD];
	_ =	sdelay $0x3  }
0x96: {  	_ =	strace s3  }
0x97: {  	_ =	strace $0x8FFFFFFF  }
0x98: {  	s19 =	sld [smem:$0x3FDB];
	_ =	sdelay $0x1  }
0x99: {  	s4 =	simm.s32 $_scs_section_size  }
0x9a: {  	s5 =	simm.s32 $_size__tile_overlayer_lowered;
	s6 =	simm.s32 $_tile_overlayer_lowered  }
0x9b: {  	s22 =	simm.s32 $0x1BFF;
	s21 =	sshll.u32 s6, $0x1;
	s3 =	sadd.s32 s4, s19  }
0x9c: {  	s7 =	simm.s32 $0x0;
	s20 =	sshll.u32 s5, $0x1;
	s5 =	sadd.s32 s21, s3  }
0x9d: {  	[timem:s7], [sflag:s22] =	dma.local [hbm:s5], s20  }
0x9e: {  	_ =	swait.ge [sflag:s22], s20  }
0x9f: {  	s4 =	ssub.s32 $0x0, s20;
	[sflag:s22] =	ssyncset.done $0x0  }
0xa0: {  	[sflag:s22] =	ssyncadd.s32 s4;
	_ =	sdelay $0x1  }
0xa1: {  	s23 =	simm.s32 $0x1B8B  }
0xa2: {  	_ =	swait.ge [sflag:s23], $0x1  }
0xa3: {  	[sflag:s23] =	ssyncset.done $0x0  }
0xa4: {  	s25 =	simm.s32 $0x1B8E;
	s24 =	sld [smem:$0x3FFE];
	[sflag:s23] =	ssyncadd.s32 $0xFFFFFFFF  }
0xa5: {  	s26 =	simm.s32 $execute0_lowered;
	[smem:$0x3FD2] =	sst s25  }
0xa6: {  	s5 =	sshll.u32 s26, $0x1;
	_ =	strace $0x80000049;
	[dreg:$0x1] =	wrdreg $0xFFFFFFFF  }
0xa7: {  	s28 =	simm.s32 $_size_execute0_lowered;
	s3 =	sadd.s32 s3, s5;
	[dreg:$0x0] =	wrdreg $0x0  }
0xa8: {  	s5 =	sshll.u32 s28, $0x1;
	[dreg:$0x2] =	wrdreg s3  }
0xa9: {  	[dreg:$0x3] =	wrdreg s5  }
0xaa: {  	[dreg:$0x4] =	wrdreg $0xC0  }
0xab: {  	_ =	task [dreg:s7], $0x5FFFF  }
0xac: {  	[dreg:$0x1] =	wrdreg $0xFFFFFFFF  }
0xad: {  	[dreg:$0x0] =	wrdreg $0x60  }
0xae: {  	[dreg:$0x2] =	wrdreg s24  }
0xaf: {  	[dreg:$0x3] =	wrdreg s2  }
0xb0: {  	[dreg:$0x4] =	wrdreg $0x82000  }
0xb1: {  	[dreg:$0x5] =	wrdreg $0x9  }
0xb2: {  	_ =	task.clear_ibuf [dreg:s7], $0x6FFFF;
	_ =	strace $0x90000049  }
0xb3: {  	s29 =	simm.s32 $0x9;
	_ =	strace $0x8000004B  }
0xb4: {  	_ =	swait.ge [sflag:s29], $0x1  }
0xb5: {  	[sflag:s29] =	ssyncadd.s32 $0xFFFFFFFF  }
0xb6: {  	_ =	strace $0x9000004B  }
0xb7: {  	_ =	sfence  }
0xb8: {  	s30 =	sld [smem:$0x0];
	_ =	sdelay $0x2  }
0xb9: {  	s31 =	sshll.u32 s1, $0xD;
	s1 =	sshrl.u32 s1, $0x2  }
0xba: {  	s3 =	sand.u32 $0x4000, s31;
	s1 =	sadd.s32 s1, s30  }
0xbb: {  	s0 =	sor.u32 s3, s0;
	s1 =	sshll.u32 s1, $0x11  }
0xbc: {  	s0 =	sor.u32 s1, s0  }
0xbd: {  	s0 =	sadd.s32 $0x8F2B, s0  }
0xbe: {  	[sflag:s0] =	ssyncadd.remote.s32 $0x1  }
0xbf: {  	_ =	sfence.sel $0xFFFF  }
0xc0: {  	[dreg:$0x0] =	wrdreg $0xFFFFFFFF;
	(pc) =	sbr.abs _section_cstart, $3  }
0xc1: {  	[dreg:$0x1] =	wrdreg $0xFFFFFFFF  }
0xc2: {  	_ =	task.clear_ibuf [dreg:s7], $0x2FFFF;
	_ =	strace $0x9FFFFFFF  }
0xc3: {  	(tm) =	ssettm $0x7FFFFFFF  }
tec
execute0_lowered:
.L_overlay_start_1:
0x0: {  	(tag) =	ssettag $0x1  }
0x1: {  	s9 =	rddreg [dreg:$0x0]  }
0x2: {  	s1 =	rddreg [dreg:$0x1]  }
0x3: {  	s2 =	rddreg [dreg:$0x2]  }
0x4: {  	s0 =	rddreg [dreg:$0x3];
	s3 =	simm.s32 $0x0  }
0x5: {  	s4 =	srdreg.scid;
	s15 =	simm.s32 $0x200;
	s18 =	simm.s32 $0x180  }
0x6: {  	s19 =	simm.s32 $0x4200;
	s20 =	simm.s32 $0x1;
	s21 =	simm.s32 $0x100  }
0x7: {  	s22 =	simm.s32 $0x2;
	s23 =	simm.s32 $0x0;
	[smem:$0x7FF] =	sst s3  }
0x8: {  	s8 =	sand.u32 $0x1, s4;
	s4 =	stileid.u32;
	s5 =	sadd.s32 $0xD400, s9  }
0x9: {  	s6 =	sadd.s32 $0x2400, s9;
	s7 =	sadd.s32 $0x18400, s9;
	s10 =	smul.u32 $0x13C000, s8  }
0xa: {  	_ =	strace $0x8000004A;
	s11 =	smul.u32 $0x13C00, s4;
	s12 =	sshll.u32 s8, $0x4  }
0xb: {  	s28 =	ssub.s32 $0x2, s8;
	s13 =	smul.u32 $0x4F000, s4;
	s16 =	sshll.u32 s4, $0x6  }
0xc: {  	s12 =	sor.u32 s4, s12;
	s29 =	sshrl.u32 s28, $0x1;
	s16 =	sor.u32 $0x1C03, s16  }
0xd: {  	s10 =	sadd.s32 s11, s10;
	s8 =	smul.u32 $0x2C00, s12;
	s12 =	ssub.s32 s28, s29  }
0xe: {  	s31 =	sshrl.u32 s13, $0x2;
	s13 =	simm.s32 $0x3;
	s10 =	sshrl.u32 s10, $0x3  }
0xf: {  	s17 =	sadd.s32 s31, s2;
	s12 =	smax.u32 s12, $0x1;
	s30 =	sshrl.u32 s8, $0x3  }
0x10: {  	s14 =	sadd.s32 s10, s9;
	s17 =	sshrl.u32 s17, $0x3;
	s9 =	sadd.s32 s5, s30  }
0x11: {  	s10 =	sadd.s32 s6, s30;
	s11 =	sadd.s32 $0x1AC00, s14;
	s14 =	simm.s32 $0x80  }
.LBB2_1:
0x12: {  	[tilespmem:s3], [sflag:$0x3] =	stream.linear.gather [hbm4b:s9+s3], $0x80, $0x38;
	[tilespmem:$0x1BE00] =	vst v63  }
0x13: {  	_ =	swait.ge [sflag:s13], $0x80  }
0x14: {  	[sflag:s13] =	ssyncset.done $0x0  }
0x15: {  	[sflag:s13] =	ssyncadd.s32 $0xFFFFFF80  }
0x16: {  	[tilespmem:s21], [sflag:$0x3] =	stream.linear.gather [hbm4b:s10+s3], $0x80, $0x38;
	[tilespmem:$0x1BE00] =	vst v63  }
0x17: {  	s24 =	simm.s32 $0x0;
	_ =	swait.ge [sflag:s13], $0x80  }
0x18: {  	s25 =	sand.u32 $0x3C00, s24;
	[sflag:s13] =	ssyncset.done $0x0  }
0x19: {  	s24 =	sand.u32 $0x300, s24;
	s25 =	sadd.s32 s8, s25;
	[sflag:s13] =	ssyncadd.s32 $0xFFFFFF80  }
0x1a: {  	[tilespmem:s15], [sflag:$0x1] =	stream.indirect.gather [hbm4b:s1+s14], $0x80, s3, s14, $0xb8;
	[tilespmem:$0x1BE00] =	vst v63  }
0x1b: {  	[spmem:s17], [sflag:s16] =	dma.local [hbm:s7], $0x2780  }
0x1c: {  	s24 =	sor.u32 s25, s24;
	_ =	swait.ge [sflag:s13], $0x2780  }
0x1d: {  	s24 =	sor.u32 $0x80, s24;
	[sflag:s13] =	ssyncset.done $0x0  }
0x1e: {  	s24 =	sshrl.u32 s24, $0x3;
	[sflag:s13] =	ssyncadd.s32 $0xFFFFD880  }
0x1f: {  	s26 =	sadd.s32 s5, s24;
	[bflag:$0x0] =	sbarrier.arrive $0xFFFF  }
0x20: {  	[tilespmem:s14], [sflag:$0x3] =	stream.linear.gather [hbm4b:s26+s3], $0x80, $0x38;
	[tilespmem:$0x1BE00] =	vst v63  }
0x21: {  	_ =	swait.ge [sflag:s13], $0x80  }
0x22: {  	[sflag:s13] =	ssyncset.done $0x0  }
0x23: {  	s24 =	sadd.s32 s6, s24;
	[sflag:s13] =	ssyncadd.s32 $0xFFFFFF80  }
0x24: {  	[tilespmem:s18], [sflag:$0x3] =	stream.linear.gather [hbm4b:s24+s3], $0x80, $0x38;
	[tilespmem:$0x1BE00] =	vst v63  }
0x25: {  	_ =	swait.ge [sflag:s13], $0x80  }
0x26: {  	[sflag:s13] =	ssyncset.done $0x0  }
0x27: {  	[sflag:s13] =	ssyncadd.s32 $0xFFFFFF80  }
0x28: {  	[tilespmem:s19], [sflag:$0x2] =	stream.indirect.gather [hbm4b:s1+s14], $0x80, s14, s14, $0xb8;
	[tilespmem:$0x1BE00] =	vst v63  }
0x29: {  	_ =	swait.ge [sflag:s20], $0x4000  }
0x2a: {  	s28 =	sand.u32 $0x7C00, s21;
	[sflag:s20] =	ssyncset.done $0x0  }
0x2b: {  	s29 =	sand.u32 $0x300, s21;
	s24 =	sadd.s32 s8, s28;
	[sflag:s20] =	ssyncadd.s32 $0xFFFFC000  }
0x2c: {  	[spmem:s2] =	stream.indirect.scatter.add.f32 [tilespmem:s15], [sflag:$0x3], $0x80, s21, s14, $0xb8;
	[tilespmem:$0x1BE00] =	vst v63  }
0x2d: {  	s24 =	sor.u32 s29, s24;
	_ =	swait.ge [sflag:s13], $0x4000  }
0x2e: {  	s24 =	sshrl.u32 s24, $0x3;
	[sflag:s13] =	ssyncset.done $0x0  }
0x2f: {  	s30 =	sadd.s32 s5, s24;
	[sflag:s13] =	ssyncadd.s32 $0xFFFFC000  }
0x30: {  	[tilespmem:s3], [sflag:$0x3] =	stream.linear.gather [hbm4b:s30+s3], $0x80, $0x38;
	[tilespmem:$0x1BE00] =	vst v63  }
0x31: {  	_ =	swait.ge [sflag:s13], $0x80  }
0x32: {  	[sflag:s13] =	ssyncset.done $0x0  }
0x33: {  	s24 =	sadd.s32 s6, s24;
	[sflag:s13] =	ssyncadd.s32 $0xFFFFFF80  }
0x34: {  	[tilespmem:s21], [sflag:$0x3] =	stream.linear.gather [hbm4b:s24+s3], $0x80, $0x38;
	[tilespmem:$0x1BE00] =	vst v63  }
0x35: {  	s31 =	simm.s32 $0x100;
	_ =	swait.ge [sflag:s13], $0x80  }
0x36: {  	s25 =	simm.s32 $0x300;
	s26 =	sand.u32 $0x3C00, s31;
	[sflag:s13] =	ssyncset.done $0x0  }
0x37: {  	s26 =	sadd.s32 s8, s26;
	s28 =	sand.u32 $0x300, s31;
	[sflag:s13] =	ssyncadd.s32 $0xFFFFFF80  }
0x38: {  	[tilespmem:s15], [sflag:$0x1] =	stream.indirect.gather [hbm4b:s1+s14], $0x80, s3, s14, $0xb8;
	[tilespmem:$0x1BE00] =	vst v63  }
0x39: {  	s26 =	sor.u32 s26, s28;
	s24 =	simm.s32 $0x200;
	_ =	swait.ge [sflag:s22], $0x4000  }
.LBB2_2:
0x3a: {  	p0 =	sne.s32 s25, $0x2800  }
0x3b: {  	[sflag:s22] =	ssyncset.done $0x0;
	s28 =	smov.u32 s25;
	s25 =	sadd.s32 $0x100, s25  }
0x3c: {  	[sflag:s22] =	ssyncadd.s32 $0xFFFFC000  }
0x3d: {  	[spmem:s2] =	stream.indirect.scatter.add.f32 [tilespmem:s19], [sflag:$0x3], $0x80, s18, s14, $0xb8;
	[tilespmem:$0x1BE00] =	vst v63  }
0x3e: {  	s26 =	sor.u32 $0x80, s26;
	_ =	swait.ge [sflag:s13], $0x4000  }
0x3f: {  	s26 =	sshrl.u32 s26, $0x3;
	[sflag:s13] =	ssyncset.done $0x0  }
0x40: {  	s29 =	sadd.s32 s5, s26;
	[sflag:s13] =	ssyncadd.s32 $0xFFFFC000  }
0x41: {  	[tilespmem:s14], [sflag:$0x3] =	stream.linear.gather [hbm4b:s29+s3], $0x80, $0x38;
	[tilespmem:$0x1BE00] =	vst v63  }
0x42: {  	_ =	swait.ge [sflag:s13], $0x80  }
0x43: {  	[sflag:s13] =	ssyncset.done $0x0  }
0x44: {  	s26 =	sadd.s32 s6, s26;
	[sflag:s13] =	ssyncadd.s32 $0xFFFFFF80  }
0x45: {  	[tilespmem:s18], [sflag:$0x3] =	stream.linear.gather [hbm4b:s26+s3], $0x80, $0x38;
	[tilespmem:$0x1BE00] =	vst v63  }
0x46: {  	_ =	swait.ge [sflag:s13], $0x80  }
0x47: {  	[sflag:s13] =	ssyncset.done $0x0  }
0x48: {  	[sflag:s13] =	ssyncadd.s32 $0xFFFFFF80  }
0x49: {  	[tilespmem:s19], [sflag:$0x2] =	stream.indirect.gather [hbm4b:s1+s14], $0x80, s14, s14, $0xb8;
	[tilespmem:$0x1BE00] =	vst v63  }
0x4a: {  	_ =	swait.ge [sflag:s20], $0x4000  }
0x4b: {  	[sflag:s20] =	ssyncset.done $0x0  }
0x4c: {  	s29 =	sand.u32 $0x300, s24;
	s26 =	sand.u32 $0x7C00, s24;
	[sflag:s20] =	ssyncadd.s32 $0xFFFFC000  }
0x4d: {  	[spmem:s2] =	stream.indirect.scatter.add.f32 [tilespmem:s15], [sflag:$0x3], $0x80, s21, s14, $0xb8;
	[tilespmem:$0x1BE00] =	vst v63  }
0x4e: {  	s24 =	smov.u32 s28;
	s26 =	sadd.s32 s8, s26;
	_ =	swait.ge [sflag:s13], $0x4000  }
0x4f: {  	s26 =	sor.u32 s29, s26;
	[sflag:s13] =	ssyncset.done $0x0  }
0x50: {  	s26 =	sshrl.u32 s26, $0x3;
	[sflag:s13] =	ssyncadd.s32 $0xFFFFC000  }
0x51: {  	s28 =	sadd.s32 s5, s26  }
0x52: {  	[tilespmem:s3], [sflag:$0x3] =	stream.linear.gather [hbm4b:s28+s3], $0x80, $0x38;
	[tilespmem:$0x1BE00] =	vst v63  }
0x53: {  	_ =	swait.ge [sflag:s13], $0x80  }
0x54: {  	s26 =	sadd.s32 s6, s26;
	[sflag:s13] =	ssyncset.done $0x0  }
0x55: {  	[sflag:s13] =	ssyncadd.s32 $0xFFFFFF80  }
0x56: {  	[tilespmem:s21], [sflag:$0x3] =	stream.linear.gather [hbm4b:s26+s3], $0x80, $0x38;
	[tilespmem:$0x1BE00] =	vst v63  }
.Ltmp0:
0x57: {  	s26 =	sadd.s32 $0xFFFFFF00, s24;
	_ =	swait.ge [sflag:s13], $0x80;
	(pc) =	sbr.rel @p0 .LBB2_2-.Ltmp0, $4  }
0x58: {  	s28 =	sand.u32 $0x3C00, s26;
	[sflag:s13] =	ssyncset.done $0x0  }
0x59: {  	s26 =	sand.u32 $0x300, s26;
	s28 =	sadd.s32 s8, s28;
	[sflag:s13] =	ssyncadd.s32 $0xFFFFFF80  }
0x5a: {  	[tilespmem:s15], [sflag:$0x1] =	stream.indirect.gather [hbm4b:s1+s14], $0x80, s3, s14, $0xb8;
	[tilespmem:$0x1BE00] =	vst v63  }
0x5b: {  	s26 =	sor.u32 s28, s26;
	_ =	swait.ge [sflag:s22], $0x4000  }
0x5c: {  	[sflag:s22] =	ssyncset.done $0x0  }
0x5d: {  	[sflag:s22] =	ssyncadd.s32 $0xFFFFC000  }
0x5e: {  	[spmem:s2] =	stream.indirect.scatter.add.f32 [tilespmem:s19], [sflag:$0x3], $0x80, s18, s14, $0xb8;
	[tilespmem:$0x1BE00] =	vst v63  }
0x5f: {  	s25 =	sor.u32 $0x80, s26;
	_ =	swait.ge [sflag:s13], $0x4000  }
0x60: {  	s25 =	sshrl.u32 s25, $0x3;
	[sflag:s13] =	ssyncset.done $0x0  }
0x61: {  	s28 =	sadd.s32 s5, s25;
	[sflag:s13] =	ssyncadd.s32 $0xFFFFC000  }
0x62: {  	[tilespmem:s14], [sflag:$0x3] =	stream.linear.gather [hbm4b:s28+s3], $0x80, $0x38;
	[tilespmem:$0x1BE00] =	vst v63  }
0x63: {  	_ =	swait.ge [sflag:s13], $0x80  }
0x64: {  	[sflag:s13] =	ssyncset.done $0x0  }
0x65: {  	s25 =	sadd.s32 s6, s25;
	[sflag:s13] =	ssyncadd.s32 $0xFFFFFF80  }
0x66: {  	[tilespmem:s18], [sflag:$0x3] =	stream.linear.gather [hbm4b:s25+s3], $0x80, $0x38;
	[tilespmem:$0x1BE00] =	vst v63  }
0x67: {  	_ =	swait.ge [sflag:s13], $0x80  }
0x68: {  	[sflag:s13] =	ssyncset.done $0x0  }
0x69: {  	[sflag:s13] =	ssyncadd.s32 $0xFFFFFF80  }
0x6a: {  	[tilespmem:s19], [sflag:$0x2] =	stream.indirect.gather [hbm4b:s1+s14], $0x80, s14, s14, $0xb8;
	[tilespmem:$0x1BE00] =	vst v63  }
0x6b: {  	_ =	swait.ge [sflag:s20], $0x4000  }
0x6c: {  	s29 =	sand.u32 $0x7C00, s24;
	[sflag:s20] =	ssyncset.done $0x0  }
0x6d: {  	s30 =	sand.u32 $0x300, s24;
	s25 =	sadd.s32 s8, s29;
	[sflag:s20] =	ssyncadd.s32 $0xFFFFC000  }
0x6e: {  	[spmem:s2] =	stream.indirect.scatter.add.f32 [tilespmem:s15], [sflag:$0x3], $0x80, s21, s14, $0xb8;
	[tilespmem:$0x1BE00] =	vst v63  }
0x6f: {  	s24 =	sor.u32 s30, s25;
	_ =	swait.ge [sflag:s13], $0x4000  }
0x70: {  	s24 =	sshrl.u32 s24, $0x3;
	[sflag:s13] =	ssyncset.done $0x0  }
0x71: {  	s31 =	sadd.s32 s5, s24;
	[sflag:s13] =	ssyncadd.s32 $0xFFFFC000  }
0x72: {  	[tilespmem:s3], [sflag:$0x3] =	stream.linear.gather [hbm4b:s31+s3], $0x80, $0x38;
	[tilespmem:$0x1BE00] =	vst v63  }
0x73: {  	_ =	swait.ge [sflag:s13], $0x80  }
0x74: {  	[sflag:s13] =	ssyncset.done $0x0  }
0x75: {  	s24 =	sadd.s32 s6, s24;
	[sflag:s13] =	ssyncadd.s32 $0xFFFFFF80  }
0x76: {  	[tilespmem:s21], [sflag:$0x3] =	stream.linear.gather [hbm4b:s24+s3], $0x80, $0x38;
	[tilespmem:$0x1BE00] =	vst v63  }
0x77: {  	_ =	swait.ge [sflag:s13], $0x80  }
0x78: {  	[sflag:s13] =	ssyncset.done $0x0  }
0x79: {  	[sflag:s13] =	ssyncadd.s32 $0xFFFFFF80  }
0x7a: {  	[tilespmem:s15], [sflag:$0x1] =	stream.indirect.gather [hbm4b:s1+s14], $0x80, s3, s14, $0xb8;
	[tilespmem:$0x1BE00] =	vst v63  }
0x7b: {  	_ =	swait.ge [sflag:s22], $0x4000  }
0x7c: {  	[sflag:s22] =	ssyncset.done $0x0  }
0x7d: {  	[sflag:s22] =	ssyncadd.s32 $0xFFFFC000  }
0x7e: {  	[spmem:s2] =	stream.indirect.scatter.add.f32 [tilespmem:s19], [sflag:$0x3], $0x80, s18, s14, $0xb8;
	[tilespmem:$0x1BE00] =	vst v63  }
0x7f: {  	_ =	swait.ge [sflag:s13], $0x4000  }
0x80: {  	[sflag:s13] =	ssyncset.done $0x0  }
0x81: {  	[sflag:s13] =	ssyncadd.s32 $0xFFFFC000  }
0x82: {  	_ =	swait.ge [sflag:s20], $0x4000  }
0x83: {  	s23 =	sadd.s32 $0x1, s23;
	[sflag:s20] =	ssyncset.done $0x0  }
0x84: {  	p0 =	sne.s32 s23, s12;
	[sflag:s20] =	ssyncadd.s32 $0xFFFFC000  }
.Ltmp1:
0x85: {  	[bflag:$0x0] =	sbarrier.arrive $0xFFFF;
	(pc) =	sbr.rel @p0 .LBB2_1-.Ltmp1, $4  }
0x86: {  	[hbm:s11], [sflag:s16] =	dma.local [spmem:s17], $0x2780  }
0x87: {  	_ =	swait.ge [sflag:s13], $0x2780  }
0x88: {  	[sflag:s13] =	ssyncset.done $0x0  }
0x89: {  	[sflag:s13] =	ssyncadd.s32 $0xFFFFD880  }
0x8a: {  	_ =	sfence.sel $0x180000  }
0x8b: {  	[bflag:$0x0] =	sbarrier.arrive $0xFFFF  }
0x8c: {  	p0 =	sne.s32 s4, $0x0;
	_ =	strace $0x9000004A  }
0x8d: {  	s0 =	sadd.s32 @!p0 $0x100000, s0;
	[bflag:$0x2] =	sbarrier.arrive $0xFFFF  }
0x8e: {  	[sflag:s0] =	ssyncadd.tile.s32 @!p0 $0x1;
	_ =	shalt  }
.Lfunc_end2:
_tile_overlayer_lowered:
.L_overlay_start_2:
0x8f: {  	(tag) =	ssettag $0x2  }
0x90: {  	s0 =	rddreg [dreg:$0x0];
	s2 =	stileid.u32  }
0x91: {  	s1 =	rddreg [dreg:$0x1];
	p0 =	sne.s32 s2, $0x0  }
0x92: {  	s3 =	rddreg [dreg:$0x2];
	[bflag:$0x3] =	sbarrier.arrive $0xFFFF;
	s2 =	simm.s32 @!p0 $0x1C03  }
0x93: {  	[timem:s3], [sflag:s2] =	dma.local @!p0 [hbm:s0], s1  }
0x94: {  	s0 =	simm.s32 @!p0 $0x3  }
0x95: {  	_ =	swait.ge @!p0 [sflag:s0], s1  }
0x96: {  	s1 =	ssub.s32 @!p0 $0x0, s1;
	[sflag:s0] =	ssyncset.done @!p0 $0x0  }
0x97: {  	[sflag:s0] =	ssyncadd.s32 @!p0 s1  }
0x98: {  	[bflag:$0x3] =	sbarrier.arrive $0xFFFF  }
0x99: {  	_ =	shalt  }

// kernel: kernel.14.cloned.1.call-start
scs
__scs_entry_jumppad:
0x0: {  	(pc) =	sbr.rel $0x88, $3  }
0x1: {  	(tag) =	ssettag $0x0;
	lr =	simm.s32 $0x1  }
0x2: {  	[smem:$0x3F9C] =	sst lr;
	_ =	strace $0xD0000000  }
0x3: {  	_ = 	snop  }
0x4: {  	_ = 	snop  }
0x5: {  	_ = 	snop  }
0x6: {  	_ = 	snop  }
0x7: {  	_ = 	snop  }
__scs_overlays_trampoline_lowered:
0x8: {  	[smem:$0x3FAB] =	sst s0  }
0x9: {  	[smem:$0x3FAC] =	sst s1  }
0xa: {  	[smem:$0x3FAD] =	sst s2  }
0xb: {  	[smem:$0x3FAE] =	sst s3  }
0xc: {  	[smem:$0x3FAF] =	sst s4  }
0xd: {  	[smem:$0x3FB0] =	sst s5  }
0xe: {  	[smem:$0x3FB1] =	sst s6  }
0xf: {  	[smem:$0x3FB2] =	sst s7  }
0x10: {  	[smem:$0x3FB3] =	sst s8  }
0x11: {  	[smem:$0x3FB4] =	sst s9;
	s0 =	simm.s32 @!p0 $0x0  }
0x12: {  	s1 =	sld [smem:$0x3F9A];
	s0 =	simm.s32 @p0 $0x1  }
0x13: {  	[smem:$0x3FB5] =	sst s0;
	s0 =	simm.s32 @!p1 $0x0  }
0x14: {  	s2 =	sld [smem:$0x3F99];
	s0 =	simm.s32 @p1 $0x1  }
0x15: {  	[smem:$0x3FB6] =	sst s0;
	s0 =	simm.s32 @!p2 $0x0  }
0x16: {  	s3 =	sld [smem:$0x3FDB];
	s0 =	simm.s32 @p2 $0x1  }
0x17: {  	s4 =	simm.s32 $0x1BF5;
	[smem:$0x3FB8] =	sst s0  }
0x18: {  	s0 =	sld [smem:$0x3F9B];
	_ =	swait.ge [sflag:s4], $0x0  }
0x19: {  	s7 =	sld [smem:$0x3F9C]  }
0x1a: {  	s8 =	sadd.s32 $0xFFFFE003, lr  }
0x1b: {  	s9 =	sadd.s32 $0xFFFFFEF7, lr;
	s5 =	simm.s32 $0xFFFFFFFF;
	p2 =	slt.u32 s8, $0xFFFFF086  }
0x1c: {  	p1 =	slt.u32 s9, $0xF7A;
	s5 =	simm.s32 @!p2 $0x0  }
0x1d: {  	s5 =	simm.s32 @p1 $0x1;
	p0 =	seq.s32 s7, s2  }
0x1e: {  	s7 =	smul.u32 @!p0 $0xF7A, s2;
	p2 =	seq.s32 @!p0 s5, $0x0  }
0x1f: {  	s9 =	smul.u32 $0xF7A, s1;
	s8 =	simm.s32 @!p0 $0x1BF5;
	p2 =	por !p2, p0  }
0x20: {  	[sflag:s8] =	ssyncset.s32 @!p0 $0xFFFFF086;
	s6 =	sadd.s32 @!p0 s3, s7;
	s7 =	simm.s32 @!p0 $0x108  }
0x21: {  	s3 =	sadd.s32 s3, s9;
	s6 =	sadd.s32 @!p0 $0x88, s6;
	s7 =	simm.s32 @p2 $0x1082  }
0x22: {  	[simem:s7], [sflag:s8] =	dma.local @!p0 [hbm:s6], $0xF7A  }
0x23: {  	s9 =	sor.u32 $0xD0000000, s2;
	s6 =	simm.s32 $0x108;
	_ =	swait.ge @!p0 [sflag:s8], $0x0  }
0x24: {  	s3 =	sadd.s32 $0x88, s3;
	s6 =	simm.s32 @!p1 $0x1082;
	[sflag:s4] =	ssyncset.s32 $0xFFFFF086  }
0x25: {  	[simem:s6], [sflag:s4] =	dma.local [hbm:s3], $0xF7A  }
0x26: {  	[smem:$0x3F9C] =	sst s1;
	(tag) =	ssettag s2;
	_ =	strace s9  }
0x27: {  	s1 =	sld [smem:$0x3FAC]  }
0x28: {  	s2 =	sld [smem:$0x3FAD]  }
0x29: {  	s4 =	sld [smem:$0x3FAF]  }
0x2a: {  	p0 =	seq.s32 s5, $0x0;
	s5 =	sld [smem:$0x3FB0]  }
0x2b: {  	s6 =	sld [smem:$0x3FB1]  }
0x2c: {  	s7 =	sld [smem:$0x3FB2]  }
0x2d: {  	s3 =	simm.s32 $0x108;
	s8 =	sld [smem:$0x3FB3]  }
0x2e: {  	s3 =	simm.s32 @!p0 $0x1082;
	s9 =	sld [smem:$0x3FB4]  }
0x2f: {  	lr =	sadd.s32 s0, s3;
	s0 =	sld [smem:$0x3FAB]  }
0x30: {  	s3 =	sld [smem:$0x3FAE]  }
0x31: {  	[smem:$0x3FB7] =	sst s10  }
0x32: {  	s10 =	sld [smem:$0x3FB5];
	_ =	sdelay $0x3  }
0x33: {  	p0 =	seq.s32 s10, $0x1;
	s10 =	sld [smem:$0x3FB7];
	_ =	sdelay $0x3  }
0x34: {  	[smem:$0x3FB7] =	sst s10  }
0x35: {  	s10 =	sld [smem:$0x3FB6];
	_ =	sdelay $0x3  }
0x36: {  	p1 =	seq.s32 s10, $0x1;
	s10 =	sld [smem:$0x3FB7];
	_ =	sdelay $0x3  }
0x37: {  	[smem:$0x3FB7] =	sst s10  }
0x38: {  	s10 =	sld [smem:$0x3FB8]  }
0x39: {  	_ = 	snop;
	(pc) =	sbr.ind lr, $3  }
0x3a: {  	_ = 	snop  }
0x3b: {  	_ = 	snop  }
0x3c: {  	p2 =	seq.s32 s10, $0x1;
	s10 =	sld [smem:$0x3FB7]  }
0x3d: {  	_ =	shalt  }
0x3e: {  	_ =	shalt  }
0x3f: {  	_ =	shalt  }
0x40: {  	_ =	shalt  }
0x41: {  	_ =	shalt  }
0x42: {  	_ =	shalt  }
0x43: {  	_ =	shalt  }
0x44: {  	_ =	shalt  }
0x45: {  	_ =	shalt  }
0x46: {  	_ =	shalt  }
0x47: {  	_ =	shalt  }
0x48: {  	_ =	shalt  }
0x49: {  	_ =	shalt  }
0x4a: {  	_ =	shalt  }
0x4b: {  	_ =	shalt  }
0x4c: {  	_ =	shalt  }
0x4d: {  	_ =	shalt  }
0x4e: {  	_ =	shalt  }
0x4f: {  	_ =	shalt  }
0x50: {  	_ =	shalt  }
0x51: {  	_ =	shalt  }
0x52: {  	_ =	shalt  }
0x53: {  	_ =	shalt  }
0x54: {  	_ =	shalt  }
0x55: {  	_ =	shalt  }
0x56: {  	_ =	shalt  }
0x57: {  	_ =	shalt  }
0x58: {  	_ =	shalt  }
0x59: {  	_ =	shalt  }
0x5a: {  	_ =	shalt  }
0x5b: {  	_ =	shalt  }
0x5c: {  	_ =	shalt  }
0x5d: {  	_ =	shalt  }
0x5e: {  	_ =	shalt  }
0x5f: {  	_ =	shalt  }
0x60: {  	_ =	shalt  }
0x61: {  	_ =	shalt  }
0x62: {  	_ =	shalt  }
0x63: {  	_ =	shalt  }
0x64: {  	_ =	shalt  }
0x65: {  	_ =	shalt  }
0x66: {  	_ =	shalt  }
0x67: {  	_ =	shalt  }
0x68: {  	_ =	shalt  }
0x69: {  	_ =	shalt  }
0x6a: {  	_ =	shalt  }
0x6b: {  	_ =	shalt  }
0x6c: {  	_ =	shalt  }
0x6d: {  	_ =	shalt  }
0x6e: {  	_ =	shalt  }
0x6f: {  	_ =	shalt  }
0x70: {  	_ =	shalt  }
0x71: {  	_ =	shalt  }
0x72: {  	_ =	shalt  }
0x73: {  	_ =	shalt  }
0x74: {  	_ =	shalt  }
0x75: {  	_ =	shalt  }
0x76: {  	_ =	shalt  }
0x77: {  	_ =	shalt  }
0x78: {  	_ =	shalt  }
0x79: {  	_ =	shalt  }
0x7a: {  	_ =	shalt  }
0x7b: {  	_ =	shalt  }
0x7c: {  	_ =	shalt  }
0x7d: {  	_ =	shalt  }
0x7e: {  	_ =	shalt  }
0x7f: {  	_ =	shalt  }
0x80: {  	_ =	shalt  }
0x81: {  	_ =	shalt  }
0x82: {  	_ =	shalt  }
0x83: {  	_ =	shalt  }
0x84: {  	_ =	shalt  }
0x85: {  	_ =	shalt  }
0x86: {  	_ =	shalt  }
0x87: {  	_ =	shalt  }
.Lfunc_end0:
.L_simem_size_0:
called_computation.2_lowered:
.L_overlay_start_0:
0x88: {  	s2 =	sld [smem:$0x3FD9]  }
0x89: {  	s3 =	sld [smem:$0x3FFE];
	_ =	sdelay $0x1  }
0x8a: {  	s1 =	srdreg.scid  }
0x8b: {  	s0 =	sand.u32 $0x1, s1  }
0x8c: {  	s17 =	sshll.u32 s0, $0xA;
	s2 =	sadd.s32 s3, s2  }
0x8d: {  	s2 =	sadd.s32 s2, s17  }
0x8e: {  	[smem:$0x3FC3] =	sst s2  }
0x8f: {  	_ = 	snop  }
0x90: {  	s2 =	sld [smem:$0x3FD0];
	(tm) =	ssettm $0x1  }
0x91: {  	s18 =	sld [smem:$0x3FFB];
	_ =	sdelay $0x3  }
0x92: {  	_ =	strace s18  }
0x93: {  	s3 =	sld [smem:$0x3FFC];
	_ =	sdelay $0x3  }
0x94: {  	_ =	strace s3  }
0x95: {  	s3 =	sld [smem:$0x3FFD];
	_ =	sdelay $0x3  }
0x96: {  	_ =	strace s3  }
0x97: {  	_ =	strace $0x8FFFFFFF  }
0x98: {  	s19 =	sld [smem:$0x3FDB];
	_ =	sdelay $0x1  }
0x99: {  	s4 =	simm.s32 $_scs_section_size  }
0x9a: {  	s5 =	simm.s32 $_size__tile_overlayer_lowered;
	s6 =	simm.s32 $_tile_overlayer_lowered  }
0x9b: {  	s22 =	simm.s32 $0x1BFF;
	s21 =	sshll.u32 s6, $0x1;
	s3 =	sadd.s32 s4, s19  }
0x9c: {  	s7 =	simm.s32 $0x0;
	s20 =	sshll.u32 s5, $0x1;
	s5 =	sadd.s32 s21, s3  }
0x9d: {  	[timem:s7], [sflag:s22] =	dma.local [hbm:s5], s20  }
0x9e: {  	_ =	swait.ge [sflag:s22], s20  }
0x9f: {  	s4 =	ssub.s32 $0x0, s20;
	[sflag:s22] =	ssyncset.done $0x0  }
0xa0: {  	[sflag:s22] =	ssyncadd.s32 s4;
	_ =	sdelay $0x1  }
0xa1: {  	s23 =	simm.s32 $0x1B8B  }
0xa2: {  	_ =	swait.ge [sflag:s23], $0x1  }
0xa3: {  	[sflag:s23] =	ssyncset.done $0x0  }
0xa4: {  	s25 =	simm.s32 $0x1B8E;
	s24 =	sld [smem:$0x3FFE];
	[sflag:s23] =	ssyncadd.s32 $0xFFFFFFFF  }
0xa5: {  	s26 =	simm.s32 $execute0_lowered;
	[smem:$0x3FD2] =	sst s25  }
0xa6: {  	s5 =	sshll.u32 s26, $0x1;
	_ =	strace $0x8000004C;
	[dreg:$0x1] =	wrdreg $0xFFFFFFFF  }
0xa7: {  	s28 =	simm.s32 $_size_execute0_lowered;
	s3 =	sadd.s32 s3, s5;
	[dreg:$0x0] =	wrdreg $0x0  }
0xa8: {  	s5 =	sshll.u32 s28, $0x1;
	[dreg:$0x2] =	wrdreg s3  }
0xa9: {  	[dreg:$0x3] =	wrdreg s5  }
0xaa: {  	[dreg:$0x4] =	wrdreg $0xC0  }
0xab: {  	_ =	task [dreg:s7], $0x5FFFF  }
0xac: {  	[dreg:$0x1] =	wrdreg $0xFFFFFFFF  }
0xad: {  	[dreg:$0x0] =	wrdreg $0x60  }
0xae: {  	[dreg:$0x2] =	wrdreg s24  }
0xaf: {  	[dreg:$0x3] =	wrdreg s2  }
0xb0: {  	[dreg:$0x4] =	wrdreg $0x82000  }
0xb1: {  	[dreg:$0x5] =	wrdreg $0x9  }
0xb2: {  	_ =	task.clear_ibuf [dreg:s7], $0x6FFFF;
	_ =	strace $0x9000004C  }
0xb3: {  	s29 =	simm.s32 $0x9;
	_ =	strace $0x8000004E  }
0xb4: {  	_ =	swait.ge [sflag:s29], $0x1  }
0xb5: {  	[sflag:s29] =	ssyncadd.s32 $0xFFFFFFFF  }
0xb6: {  	_ =	strace $0x9000004E  }
0xb7: {  	_ =	sfence  }
0xb8: {  	s30 =	sld [smem:$0x0];
	_ =	sdelay $0x2  }
0xb9: {  	s31 =	sshll.u32 s1, $0xD;
	s1 =	sshrl.u32 s1, $0x2  }
0xba: {  	s3 =	sand.u32 $0x4000, s31;
	s1 =	sadd.s32 s1, s30  }
0xbb: {  	s0 =	sor.u32 s3, s0;
	s1 =	sshll.u32 s1, $0x11  }
0xbc: {  	s0 =	sor.u32 s1, s0  }
0xbd: {  	s0 =	sadd.s32 $0x8F2B, s0  }
0xbe: {  	[sflag:s0] =	ssyncadd.remote.s32 $0x1  }
0xbf: {  	_ =	sfence.sel $0xFFFF  }
0xc0: {  	[dreg:$0x0] =	wrdreg $0xFFFFFFFF;
	(pc) =	sbr.abs _section_cstart, $3  }
0xc1: {  	[dreg:$0x1] =	wrdreg $0xFFFFFFFF  }
0xc2: {  	_ =	task.clear_ibuf [dreg:s7], $0x2FFFF;
	_ =	strace $0x9FFFFFFF  }
0xc3: {  	(tm) =	ssettm $0x7FFFFFFF  }
tec
execute0_lowered:
.L_overlay_start_1:
0x0: {  	(tag) =	ssettag $0x1  }
0x1: {  	s9 =	rddreg [dreg:$0x0]  }
0x2: {  	s1 =	rddreg [dreg:$0x1]  }
0x3: {  	s2 =	rddreg [dreg:$0x2]  }
0x4: {  	s0 =	rddreg [dreg:$0x3];
	s3 =	simm.s32 $0x0  }
0x5: {  	s4 =	srdreg.scid;
	s15 =	simm.s32 $0x200;
	s18 =	simm.s32 $0x180  }
0x6: {  	s19 =	simm.s32 $0x4200;
	s20 =	simm.s32 $0x1;
	s21 =	simm.s32 $0x100  }
0x7: {  	s22 =	simm.s32 $0x2;
	s23 =	simm.s32 $0x0;
	[smem:$0x7FF] =	sst s3  }
0x8: {  	s8 =	sand.u32 $0x1, s4;
	s4 =	stileid.u32;
	s5 =	sadd.s32 $0xD400, s9  }
0x9: {  	s6 =	sadd.s32 $0x2400, s9;
	s7 =	sadd.s32 $0x18400, s9;
	s10 =	smul.u32 $0x13C000, s8  }
0xa: {  	_ =	strace $0x8000004D;
	s11 =	smul.u32 $0x13C00, s4;
	s12 =	sshll.u32 s8, $0x4  }
0xb: {  	s28 =	ssub.s32 $0x2, s8;
	s13 =	smul.u32 $0x4F000, s4;
	s16 =	sshll.u32 s4, $0x6  }
0xc: {  	s12 =	sor.u32 s4, s12;
	s29 =	sshrl.u32 s28, $0x1;
	s16 =	sor.u32 $0x1C03, s16  }
0xd: {  	s10 =	sadd.s32 s11, s10;
	s8 =	smul.u32 $0x2C00, s12;
	s12 =	ssub.s32 s28, s29  }
0xe: {  	s31 =	sshrl.u32 s13, $0x2;
	s13 =	simm.s32 $0x3;
	s10 =	sshrl.u32 s10, $0x3  }
0xf: {  	s17 =	sadd.s32 s31, s2;
	s12 =	smax.u32 s12, $0x1;
	s30 =	sshrl.u32 s8, $0x3  }
0x10: {  	s14 =	sadd.s32 s10, s9;
	s17 =	sshrl.u32 s17, $0x3;
	s9 =	sadd.s32 s5, s30  }
0x11: {  	s10 =	sadd.s32 s6, s30;
	s11 =	sadd.s32 $0x1AC00, s14;
	s14 =	simm.s32 $0x80  }
.LBB2_1:
0x12: {  	[tilespmem:s3], [sflag:$0x3] =	stream.linear.gather [hbm4b:s9+s3], $0x80, $0x38;
	[tilespmem:$0x1BE00] =	vst v63  }
0x13: {  	_ =	swait.ge [sflag:s13], $0x80  }
0x14: {  	[sflag:s13] =	ssyncset.done $0x0  }
0x15: {  	[sflag:s13] =	ssyncadd.s32 $0xFFFFFF80  }
0x16: {  	[tilespmem:s21], [sflag:$0x3] =	stream.linear.gather [hbm4b:s10+s3], $0x80, $0x38;
	[tilespmem:$0x1BE00] =	vst v63  }
0x17: {  	s24 =	simm.s32 $0x0;
	_ =	swait.ge [sflag:s13], $0x80  }
0x18: {  	s25 =	sand.u32 $0x3C00, s24;
	[sflag:s13] =	ssyncset.done $0x0  }
0x19: {  	s24 =	sand.u32 $0x300, s24;
	s25 =	sadd.s32 s8, s25;
	[sflag:s13] =	ssyncadd.s32 $0xFFFFFF80  }
0x1a: {  	[tilespmem:s15], [sflag:$0x1] =	stream.indirect.gather [hbm4b:s1+s14], $0x80, s3, s14, $0xb8;
	[tilespmem:$0x1BE00] =	vst v63  }
0x1b: {  	[spmem:s17], [sflag:s16] =	dma.local [hbm:s7], $0x2780  }
0x1c: {  	s24 =	sor.u32 s25, s24;
	_ =	swait.ge [sflag:s13], $0x2780  }
0x1d: {  	s24 =	sor.u32 $0x80, s24;
	[sflag:s13] =	ssyncset.done $0x0  }
0x1e: {  	s24 =	sshrl.u32 s24, $0x3;
	[sflag:s13] =	ssyncadd.s32 $0xFFFFD880  }
0x1f: {  	s26 =	sadd.s32 s5, s24;
	[bflag:$0x0] =	sbarrier.arrive $0xFFFF  }
0x20: {  	[tilespmem:s14], [sflag:$0x3] =	stream.linear.gather [hbm4b:s26+s3], $0x80, $0x38;
	[tilespmem:$0x1BE00] =	vst v63  }
0x21: {  	_ =	swait.ge [sflag:s13], $0x80  }
0x22: {  	[sflag:s13] =	ssyncset.done $0x0  }
0x23: {  	s24 =	sadd.s32 s6, s24;
	[sflag:s13] =	ssyncadd.s32 $0xFFFFFF80  }
0x24: {  	[tilespmem:s18], [sflag:$0x3] =	stream.linear.gather [hbm4b:s24+s3], $0x80, $0x38;
	[tilespmem:$0x1BE00] =	vst v63  }
0x25: {  	_ =	swait.ge [sflag:s13], $0x80  }
0x26: {  	[sflag:s13] =	ssyncset.done $0x0  }
0x27: {  	[sflag:s13] =	ssyncadd.s32 $0xFFFFFF80  }
0x28: {  	[tilespmem:s19], [sflag:$0x2] =	stream.indirect.gather [hbm4b:s1+s14], $0x80, s14, s14, $0xb8;
	[tilespmem:$0x1BE00] =	vst v63  }
0x29: {  	_ =	swait.ge [sflag:s20], $0x4000  }
0x2a: {  	s28 =	sand.u32 $0x7C00, s21;
	[sflag:s20] =	ssyncset.done $0x0  }
0x2b: {  	s29 =	sand.u32 $0x300, s21;
	s24 =	sadd.s32 s8, s28;
	[sflag:s20] =	ssyncadd.s32 $0xFFFFC000  }
0x2c: {  	[spmem:s2] =	stream.indirect.scatter.add.f32 [tilespmem:s15], [sflag:$0x3], $0x80, s21, s14, $0xb8;
	[tilespmem:$0x1BE00] =	vst v63  }
0x2d: {  	s24 =	sor.u32 s29, s24;
	_ =	swait.ge [sflag:s13], $0x4000  }
0x2e: {  	s24 =	sshrl.u32 s24, $0x3;
	[sflag:s13] =	ssyncset.done $0x0  }
0x2f: {  	s30 =	sadd.s32 s5, s24;
	[sflag:s13] =	ssyncadd.s32 $0xFFFFC000  }
0x30: {  	[tilespmem:s3], [sflag:$0x3] =	stream.linear.gather [hbm4b:s30+s3], $0x80, $0x38;
	[tilespmem:$0x1BE00] =	vst v63  }
0x31: {  	_ =	swait.ge [sflag:s13], $0x80  }
0x32: {  	[sflag:s13] =	ssyncset.done $0x0  }
0x33: {  	s24 =	sadd.s32 s6, s24;
	[sflag:s13] =	ssyncadd.s32 $0xFFFFFF80  }
0x34: {  	[tilespmem:s21], [sflag:$0x3] =	stream.linear.gather [hbm4b:s24+s3], $0x80, $0x38;
	[tilespmem:$0x1BE00] =	vst v63  }
0x35: {  	s31 =	simm.s32 $0x100;
	_ =	swait.ge [sflag:s13], $0x80  }
0x36: {  	s25 =	simm.s32 $0x300;
	s26 =	sand.u32 $0x3C00, s31;
	[sflag:s13] =	ssyncset.done $0x0  }
0x37: {  	s26 =	sadd.s32 s8, s26;
	s28 =	sand.u32 $0x300, s31;
	[sflag:s13] =	ssyncadd.s32 $0xFFFFFF80  }
0x38: {  	[tilespmem:s15], [sflag:$0x1] =	stream.indirect.gather [hbm4b:s1+s14], $0x80, s3, s14, $0xb8;
	[tilespmem:$0x1BE00] =	vst v63  }
0x39: {  	s26 =	sor.u32 s26, s28;
	s24 =	simm.s32 $0x200;
	_ =	swait.ge [sflag:s22], $0x4000  }
.LBB2_2:
0x3a: {  	p0 =	sne.s32 s25, $0x2800  }
0x3b: {  	[sflag:s22] =	ssyncset.done $0x0;
	s28 =	smov.u32 s25;
	s25 =	sadd.s32 $0x100, s25  }
0x3c: {  	[sflag:s22] =	ssyncadd.s32 $0xFFFFC000  }
0x3d: {  	[spmem:s2] =	stream.indirect.scatter.add.f32 [tilespmem:s19], [sflag:$0x3], $0x80, s18, s14, $0xb8;
	[tilespmem:$0x1BE00] =	vst v63  }
0x3e: {  	s26 =	sor.u32 $0x80, s26;
	_ =	swait.ge [sflag:s13], $0x4000  }
0x3f: {  	s26 =	sshrl.u32 s26, $0x3;
	[sflag:s13] =	ssyncset.done $0x0  }
0x40: {  	s29 =	sadd.s32 s5, s26;
	[sflag:s13] =	ssyncadd.s32 $0xFFFFC000  }
0x41: {  	[tilespmem:s14], [sflag:$0x3] =	stream.linear.gather [hbm4b:s29+s3], $0x80, $0x38;
	[tilespmem:$0x1BE00] =	vst v63  }
0x42: {  	_ =	swait.ge [sflag:s13], $0x80  }
0x43: {  	[sflag:s13] =	ssyncset.done $0x0  }
0x44: {  	s26 =	sadd.s32 s6, s26;
	[sflag:s13] =	ssyncadd.s32 $0xFFFFFF80  }
0x45: {  	[tilespmem:s18], [sflag:$0x3] =	stream.linear.gather [hbm4b:s26+s3], $0x80, $0x38;
	[tilespmem:$0x1BE00] =	vst v63  }
0x46: {  	_ =	swait.ge [sflag:s13], $0x80  }
0x47: {  	[sflag:s13] =	ssyncset.done $0x0  }
0x48: {  	[sflag:s13] =	ssyncadd.s32 $0xFFFFFF80  }
0x49: {  	[tilespmem:s19], [sflag:$0x2] =	stream.indirect.gather [hbm4b:s1+s14], $0x80, s14, s14, $0xb8;
	[tilespmem:$0x1BE00] =	vst v63  }
0x4a: {  	_ =	swait.ge [sflag:s20], $0x4000  }
0x4b: {  	[sflag:s20] =	ssyncset.done $0x0  }
0x4c: {  	s29 =	sand.u32 $0x300, s24;
	s26 =	sand.u32 $0x7C00, s24;
	[sflag:s20] =	ssyncadd.s32 $0xFFFFC000  }
0x4d: {  	[spmem:s2] =	stream.indirect.scatter.add.f32 [tilespmem:s15], [sflag:$0x3], $0x80, s21, s14, $0xb8;
	[tilespmem:$0x1BE00] =	vst v63  }
0x4e: {  	s24 =	smov.u32 s28;
	s26 =	sadd.s32 s8, s26;
	_ =	swait.ge [sflag:s13], $0x4000  }
0x4f: {  	s26 =	sor.u32 s29, s26;
	[sflag:s13] =	ssyncset.done $0x0  }
0x50: {  	s26 =	sshrl.u32 s26, $0x3;
	[sflag:s13] =	ssyncadd.s32 $0xFFFFC000  }
0x51: {  	s28 =	sadd.s32 s5, s26  }
0x52: {  	[tilespmem:s3], [sflag:$0x3] =	stream.linear.gather [hbm4b:s28+s3], $0x80, $0x38;
	[tilespmem:$0x1BE00] =	vst v63  }
0x53: {  	_ =	swait.ge [sflag:s13], $0x80  }
0x54: {  	s26 =	sadd.s32 s6, s26;
	[sflag:s13] =	ssyncset.done $0x0  }
0x55: {  	[sflag:s13] =	ssyncadd.s32 $0xFFFFFF80  }
0x56: {  	[tilespmem:s21], [sflag:$0x3] =	stream.linear.gather [hbm4b:s26+s3], $0x80, $0x38;
	[tilespmem:$0x1BE00] =	vst v63  }
.Ltmp0:
0x57: {  	s26 =	sadd.s32 $0xFFFFFF00, s24;
	_ =	swait.ge [sflag:s13], $0x80;
	(pc) =	sbr.rel @p0 .LBB2_2-.Ltmp0, $4  }
0x58: {  	s28 =	sand.u32 $0x3C00, s26;
	[sflag:s13] =	ssyncset.done $0x0  }
0x59: {  	s26 =	sand.u32 $0x300, s26;
	s28 =	sadd.s32 s8, s28;
	[sflag:s13] =	ssyncadd.s32 $0xFFFFFF80  }
0x5a: {  	[tilespmem:s15], [sflag:$0x1] =	stream.indirect.gather [hbm4b:s1+s14], $0x80, s3, s14, $0xb8;
	[tilespmem:$0x1BE00] =	vst v63  }
0x5b: {  	s26 =	sor.u32 s28, s26;
	_ =	swait.ge [sflag:s22], $0x4000  }
0x5c: {  	[sflag:s22] =	ssyncset.done $0x0  }
0x5d: {  	[sflag:s22] =	ssyncadd.s32 $0xFFFFC000  }
0x5e: {  	[spmem:s2] =	stream.indirect.scatter.add.f32 [tilespmem:s19], [sflag:$0x3], $0x80, s18, s14, $0xb8;
	[tilespmem:$0x1BE00] =	vst v63  }
0x5f: {  	s25 =	sor.u32 $0x80, s26;
	_ =	swait.ge [sflag:s13], $0x4000  }
0x60: {  	s25 =	sshrl.u32 s25, $0x3;
	[sflag:s13] =	ssyncset.done $0x0  }
0x61: {  	s28 =	sadd.s32 s5, s25;
	[sflag:s13] =	ssyncadd.s32 $0xFFFFC000  }
0x62: {  	[tilespmem:s14], [sflag:$0x3] =	stream.linear.gather [hbm4b:s28+s3], $0x80, $0x38;
	[tilespmem:$0x1BE00] =	vst v63  }
0x63: {  	_ =	swait.ge [sflag:s13], $0x80  }
0x64: {  	[sflag:s13] =	ssyncset.done $0x0  }
0x65: {  	s25 =	sadd.s32 s6, s25;
	[sflag:s13] =	ssyncadd.s32 $0xFFFFFF80  }
0x66: {  	[tilespmem:s18], [sflag:$0x3] =	stream.linear.gather [hbm4b:s25+s3], $0x80, $0x38;
	[tilespmem:$0x1BE00] =	vst v63  }
0x67: {  	_ =	swait.ge [sflag:s13], $0x80  }
0x68: {  	[sflag:s13] =	ssyncset.done $0x0  }
0x69: {  	[sflag:s13] =	ssyncadd.s32 $0xFFFFFF80  }
0x6a: {  	[tilespmem:s19], [sflag:$0x2] =	stream.indirect.gather [hbm4b:s1+s14], $0x80, s14, s14, $0xb8;
	[tilespmem:$0x1BE00] =	vst v63  }
0x6b: {  	_ =	swait.ge [sflag:s20], $0x4000  }
0x6c: {  	s29 =	sand.u32 $0x7C00, s24;
	[sflag:s20] =	ssyncset.done $0x0  }
0x6d: {  	s30 =	sand.u32 $0x300, s24;
	s25 =	sadd.s32 s8, s29;
	[sflag:s20] =	ssyncadd.s32 $0xFFFFC000  }
0x6e: {  	[spmem:s2] =	stream.indirect.scatter.add.f32 [tilespmem:s15], [sflag:$0x3], $0x80, s21, s14, $0xb8;
	[tilespmem:$0x1BE00] =	vst v63  }
0x6f: {  	s24 =	sor.u32 s30, s25;
	_ =	swait.ge [sflag:s13], $0x4000  }
0x70: {  	s24 =	sshrl.u32 s24, $0x3;
	[sflag:s13] =	ssyncset.done $0x0  }
0x71: {  	s31 =	sadd.s32 s5, s24;
	[sflag:s13] =	ssyncadd.s32 $0xFFFFC000  }
0x72: {  	[tilespmem:s3], [sflag:$0x3] =	stream.linear.gather [hbm4b:s31+s3], $0x80, $0x38;
	[tilespmem:$0x1BE00] =	vst v63  }
0x73: {  	_ =	swait.ge [sflag:s13], $0x80  }
0x74: {  	[sflag:s13] =	ssyncset.done $0x0  }
0x75: {  	s24 =	sadd.s32 s6, s24;
	[sflag:s13] =	ssyncadd.s32 $0xFFFFFF80  }
0x76: {  	[tilespmem:s21], [sflag:$0x3] =	stream.linear.gather [hbm4b:s24+s3], $0x80, $0x38;
	[tilespmem:$0x1BE00] =	vst v63  }
0x77: {  	_ =	swait.ge [sflag:s13], $0x80  }
0x78: {  	[sflag:s13] =	ssyncset.done $0x0  }
0x79: {  	[sflag:s13] =	ssyncadd.s32 $0xFFFFFF80  }
0x7a: {  	[tilespmem:s15], [sflag:$0x1] =	stream.indirect.gather [hbm4b:s1+s14], $0x80, s3, s14, $0xb8;
	[tilespmem:$0x1BE00] =	vst v63  }
0x7b: {  	_ =	swait.ge [sflag:s22], $0x4000  }
0x7c: {  	[sflag:s22] =	ssyncset.done $0x0  }
0x7d: {  	[sflag:s22] =	ssyncadd.s32 $0xFFFFC000  }
0x7e: {  	[spmem:s2] =	stream.indirect.scatter.add.f32 [tilespmem:s19], [sflag:$0x3], $0x80, s18, s14, $0xb8;
	[tilespmem:$0x1BE00] =	vst v63  }
0x7f: {  	_ =	swait.ge [sflag:s13], $0x4000  }
0x80: {  	[sflag:s13] =	ssyncset.done $0x0  }
0x81: {  	[sflag:s13] =	ssyncadd.s32 $0xFFFFC000  }
0x82: {  	_ =	swait.ge [sflag:s20], $0x4000  }
0x83: {  	s23 =	sadd.s32 $0x1, s23;
	[sflag:s20] =	ssyncset.done $0x0  }
0x84: {  	p0 =	sne.s32 s23, s12;
	[sflag:s20] =	ssyncadd.s32 $0xFFFFC000  }
.Ltmp1:
0x85: {  	[bflag:$0x0] =	sbarrier.arrive $0xFFFF;
	(pc) =	sbr.rel @p0 .LBB2_1-.Ltmp1, $4  }
0x86: {  	[hbm:s11], [sflag:s16] =	dma.local [spmem:s17], $0x2780  }
0x87: {  	_ =	swait.ge [sflag:s13], $0x2780  }
0x88: {  	[sflag:s13] =	ssyncset.done $0x0  }
0x89: {  	[sflag:s13] =	ssyncadd.s32 $0xFFFFD880  }
0x8a: {  	_ =	sfence.sel $0x180000  }
0x8b: {  	[bflag:$0x0] =	sbarrier.arrive $0xFFFF  }
0x8c: {  	p0 =	sne.s32 s4, $0x0;
	_ =	strace $0x9000004D  }
0x8d: {  	s0 =	sadd.s32 @!p0 $0x100000, s0;
	[bflag:$0x2] =	sbarrier.arrive $0xFFFF  }
0x8e: {  	[sflag:s0] =	ssyncadd.tile.s32 @!p0 $0x1;
	_ =	shalt  }
.Lfunc_end2:
_tile_overlayer_lowered:
.L_overlay_start_2:
0x8f: {  	(tag) =	ssettag $0x2  }
0x90: {  	s0 =	rddreg [dreg:$0x0];
	s2 =	stileid.u32  }
0x91: {  	s1 =	rddreg [dreg:$0x1];
	p0 =	sne.s32 s2, $0x0  }
0x92: {  	s3 =	rddreg [dreg:$0x2];
	[bflag:$0x3] =	sbarrier.arrive $0xFFFF;
	s2 =	simm.s32 @!p0 $0x1C03  }
0x93: {  	[timem:s3], [sflag:s2] =	dma.local @!p0 [hbm:s0], s1  }
0x94: {  	s0 =	simm.s32 @!p0 $0x3  }
0x95: {  	_ =	swait.ge @!p0 [sflag:s0], s1  }
0x96: {  	s1 =	ssub.s32 @!p0 $0x0, s1;
	[sflag:s0] =	ssyncset.done @!p0 $0x0  }
0x97: {  	[sflag:s0] =	ssyncadd.s32 @!p0 s1  }
0x98: {  	[bflag:$0x3] =	sbarrier.arrive $0xFFFF  }
0x99: {  	_ =	shalt  }

// kernel: kernel.8.cloned.1.call-start
scs
__scs_entry_jumppad:
0x0: {  	(pc) =	sbr.rel $0x88, $3  }
0x1: {  	(tag) =	ssettag $0x0;
	lr =	simm.s32 $0x1  }
0x2: {  	[smem:$0x3F9C] =	sst lr;
	_ =	strace $0xD0000000  }
0x3: {  	_ = 	snop  }
0x4: {  	_ = 	snop  }
0x5: {  	_ = 	snop  }
0x6: {  	_ = 	snop  }
0x7: {  	_ = 	snop  }
__scs_overlays_trampoline_lowered:
0x8: {  	[smem:$0x3FAB] =	sst s0  }
0x9: {  	[smem:$0x3FAC] =	sst s1  }
0xa: {  	[smem:$0x3FAD] =	sst s2  }
0xb: {  	[smem:$0x3FAE] =	sst s3  }
0xc: {  	[smem:$0x3FAF] =	sst s4  }
0xd: {  	[smem:$0x3FB0] =	sst s5  }
0xe: {  	[smem:$0x3FB1] =	sst s6  }
0xf: {  	[smem:$0x3FB2] =	sst s7  }
0x10: {  	[smem:$0x3FB3] =	sst s8  }
0x11: {  	[smem:$0x3FB4] =	sst s9;
	s0 =	simm.s32 @!p0 $0x0  }
0x12: {  	s1 =	sld [smem:$0x3F9A];
	s0 =	simm.s32 @p0 $0x1  }
0x13: {  	[smem:$0x3FB5] =	sst s0;
	s0 =	simm.s32 @!p1 $0x0  }
0x14: {  	s2 =	sld [smem:$0x3F99];
	s0 =	simm.s32 @p1 $0x1  }
0x15: {  	[smem:$0x3FB6] =	sst s0;
	s0 =	simm.s32 @!p2 $0x0  }
0x16: {  	s3 =	sld [smem:$0x3FDB];
	s0 =	simm.s32 @p2 $0x1  }
0x17: {  	s4 =	simm.s32 $0x1BF5;
	[smem:$0x3FB8] =	sst s0  }
0x18: {  	s0 =	sld [smem:$0x3F9B];
	_ =	swait.ge [sflag:s4], $0x0  }
0x19: {  	s7 =	sld [smem:$0x3F9C]  }
0x1a: {  	s8 =	sadd.s32 $0xFFFFE003, lr  }
0x1b: {  	s9 =	sadd.s32 $0xFFFFFEF7, lr;
	s5 =	simm.s32 $0xFFFFFFFF;
	p2 =	slt.u32 s8, $0xFFFFF086  }
0x1c: {  	p1 =	slt.u32 s9, $0xF7A;
	s5 =	simm.s32 @!p2 $0x0  }
0x1d: {  	s5 =	simm.s32 @p1 $0x1;
	p0 =	seq.s32 s7, s2  }
0x1e: {  	s7 =	smul.u32 @!p0 $0xF7A, s2;
	p2 =	seq.s32 @!p0 s5, $0x0  }
0x1f: {  	s9 =	smul.u32 $0xF7A, s1;
	s8 =	simm.s32 @!p0 $0x1BF5;
	p2 =	por !p2, p0  }
0x20: {  	[sflag:s8] =	ssyncset.s32 @!p0 $0xFFFFF086;
	s6 =	sadd.s32 @!p0 s3, s7;
	s7 =	simm.s32 @!p0 $0x108  }
0x21: {  	s3 =	sadd.s32 s3, s9;
	s6 =	sadd.s32 @!p0 $0x88, s6;
	s7 =	simm.s32 @p2 $0x1082  }
0x22: {  	[simem:s7], [sflag:s8] =	dma.local @!p0 [hbm:s6], $0xF7A  }
0x23: {  	s9 =	sor.u32 $0xD0000000, s2;
	s6 =	simm.s32 $0x108;
	_ =	swait.ge @!p0 [sflag:s8], $0x0  }
0x24: {  	s3 =	sadd.s32 $0x88, s3;
	s6 =	simm.s32 @!p1 $0x1082;
	[sflag:s4] =	ssyncset.s32 $0xFFFFF086  }
0x25: {  	[simem:s6], [sflag:s4] =	dma.local [hbm:s3], $0xF7A  }
0x26: {  	[smem:$0x3F9C] =	sst s1;
	(tag) =	ssettag s2;
	_ =	strace s9  }
0x27: {  	s1 =	sld [smem:$0x3FAC]  }
0x28: {  	s2 =	sld [smem:$0x3FAD]  }
0x29: {  	s4 =	sld [smem:$0x3FAF]  }
0x2a: {  	p0 =	seq.s32 s5, $0x0;
	s5 =	sld [smem:$0x3FB0]  }
0x2b: {  	s6 =	sld [smem:$0x3FB1]  }
0x2c: {  	s7 =	sld [smem:$0x3FB2]  }
0x2d: {  	s3 =	simm.s32 $0x108;
	s8 =	sld [smem:$0x3FB3]  }
0x2e: {  	s3 =	simm.s32 @!p0 $0x1082;
	s9 =	sld [smem:$0x3FB4]  }
0x2f: {  	lr =	sadd.s32 s0, s3;
	s0 =	sld [smem:$0x3FAB]  }
0x30: {  	s3 =	sld [smem:$0x3FAE]  }
0x31: {  	[smem:$0x3FB7] =	sst s10  }
0x32: {  	s10 =	sld [smem:$0x3FB5];
	_ =	sdelay $0x3  }
0x33: {  	p0 =	seq.s32 s10, $0x1;
	s10 =	sld [smem:$0x3FB7];
	_ =	sdelay $0x3  }
0x34: {  	[smem:$0x3FB7] =	sst s10  }
0x35: {  	s10 =	sld [smem:$0x3FB6];
	_ =	sdelay $0x3  }
0x36: {  	p1 =	seq.s32 s10, $0x1;
	s10 =	sld [smem:$0x3FB7];
	_ =	sdelay $0x3  }
0x37: {  	[smem:$0x3FB7] =	sst s10  }
0x38: {  	s10 =	sld [smem:$0x3FB8]  }
0x39: {  	_ = 	snop;
	(pc) =	sbr.ind lr, $3  }
0x3a: {  	_ = 	snop  }
0x3b: {  	_ = 	snop  }
0x3c: {  	p2 =	seq.s32 s10, $0x1;
	s10 =	sld [smem:$0x3FB7]  }
0x3d: {  	_ =	shalt  }
0x3e: {  	_ =	shalt  }
0x3f: {  	_ =	shalt  }
0x40: {  	_ =	shalt  }
0x41: {  	_ =	shalt  }
0x42: {  	_ =	shalt  }
0x43: {  	_ =	shalt  }
0x44: {  	_ =	shalt  }
0x45: {  	_ =	shalt  }
0x46: {  	_ =	shalt  }
0x47: {  	_ =	shalt  }
0x48: {  	_ =	shalt  }
0x49: {  	_ =	shalt  }
0x4a: {  	_ =	shalt  }
0x4b: {  	_ =	shalt  }
0x4c: {  	_ =	shalt  }
0x4d: {  	_ =	shalt  }
0x4e: {  	_ =	shalt  }
0x4f: {  	_ =	shalt  }
0x50: {  	_ =	shalt  }
0x51: {  	_ =	shalt  }
0x52: {  	_ =	shalt  }
0x53: {  	_ =	shalt  }
0x54: {  	_ =	shalt  }
0x55: {  	_ =	shalt  }
0x56: {  	_ =	shalt  }
0x57: {  	_ =	shalt  }
0x58: {  	_ =	shalt  }
0x59: {  	_ =	shalt  }
0x5a: {  	_ =	shalt  }
0x5b: {  	_ =	shalt  }
0x5c: {  	_ =	shalt  }
0x5d: {  	_ =	shalt  }
0x5e: {  	_ =	shalt  }
0x5f: {  	_ =	shalt  }
0x60: {  	_ =	shalt  }
0x61: {  	_ =	shalt  }
0x62: {  	_ =	shalt  }
0x63: {  	_ =	shalt  }
0x64: {  	_ =	shalt  }
0x65: {  	_ =	shalt  }
0x66: {  	_ =	shalt  }
0x67: {  	_ =	shalt  }
0x68: {  	_ =	shalt  }
0x69: {  	_ =	shalt  }
0x6a: {  	_ =	shalt  }
0x6b: {  	_ =	shalt  }
0x6c: {  	_ =	shalt  }
0x6d: {  	_ =	shalt  }
0x6e: {  	_ =	shalt  }
0x6f: {  	_ =	shalt  }
0x70: {  	_ =	shalt  }
0x71: {  	_ =	shalt  }
0x72: {  	_ =	shalt  }
0x73: {  	_ =	shalt  }
0x74: {  	_ =	shalt  }
0x75: {  	_ =	shalt  }
0x76: {  	_ =	shalt  }
0x77: {  	_ =	shalt  }
0x78: {  	_ =	shalt  }
0x79: {  	_ =	shalt  }
0x7a: {  	_ =	shalt  }
0x7b: {  	_ =	shalt  }
0x7c: {  	_ =	shalt  }
0x7d: {  	_ =	shalt  }
0x7e: {  	_ =	shalt  }
0x7f: {  	_ =	shalt  }
0x80: {  	_ =	shalt  }
0x81: {  	_ =	shalt  }
0x82: {  	_ =	shalt  }
0x83: {  	_ =	shalt  }
0x84: {  	_ =	shalt  }
0x85: {  	_ =	shalt  }
0x86: {  	_ =	shalt  }
0x87: {  	_ =	shalt  }
.Lfunc_end0:
.L_simem_size_0:
called_computation_lowered:
.L_overlay_start_0:
0x88: {  	s2 =	sld [smem:$0x3FD9]  }
0x89: {  	s3 =	sld [smem:$0x3FFE];
	_ =	sdelay $0x1  }
0x8a: {  	s1 =	srdreg.scid  }
0x8b: {  	s0 =	sand.u32 $0x1, s1  }
0x8c: {  	s17 =	sshll.u32 s0, $0xA;
	s2 =	sadd.s32 s3, s2  }
0x8d: {  	s2 =	sadd.s32 s2, s17  }
0x8e: {  	[smem:$0x3FC3] =	sst s2  }
0x8f: {  	_ = 	snop  }
0x90: {  	s2 =	sld [smem:$0x3FC9];
	(tm) =	ssettm $0x1  }
0x91: {  	s18 =	sld [smem:$0x3FFB];
	_ =	sdelay $0x3  }
0x92: {  	_ =	strace s18  }
0x93: {  	s3 =	sld [smem:$0x3FFC];
	_ =	sdelay $0x3  }
0x94: {  	_ =	strace s3  }
0x95: {  	s3 =	sld [smem:$0x3FFD];
	_ =	sdelay $0x3  }
0x96: {  	_ =	strace s3  }
0x97: {  	_ =	strace $0x8FFFFFFF  }
0x98: {  	s19 =	sld [smem:$0x3FDB];
	_ =	sdelay $0x1  }
0x99: {  	s4 =	simm.s32 $_scs_section_size  }
0x9a: {  	s5 =	simm.s32 $_size__tile_overlayer_lowered;
	s6 =	simm.s32 $_tile_overlayer_lowered  }
0x9b: {  	s22 =	simm.s32 $0x1BFF;
	s21 =	sshll.u32 s6, $0x1;
	s3 =	sadd.s32 s4, s19  }
0x9c: {  	s7 =	simm.s32 $0x0;
	s20 =	sshll.u32 s5, $0x1;
	s5 =	sadd.s32 s21, s3  }
0x9d: {  	[timem:s7], [sflag:s22] =	dma.local [hbm:s5], s20  }
0x9e: {  	_ =	swait.ge [sflag:s22], s20  }
0x9f: {  	s4 =	ssub.s32 $0x0, s20;
	[sflag:s22] =	ssyncset.done $0x0  }
0xa0: {  	[sflag:s22] =	ssyncadd.s32 s4;
	_ =	sdelay $0x1  }
0xa1: {  	s23 =	simm.s32 $0x1B8B  }
0xa2: {  	_ =	swait.ge [sflag:s23], $0x1  }
0xa3: {  	[sflag:s23] =	ssyncset.done $0x0  }
0xa4: {  	s25 =	simm.s32 $0x1B8E;
	s24 =	sld [smem:$0x3FFE];
	[sflag:s23] =	ssyncadd.s32 $0xFFFFFFFF  }
0xa5: {  	s26 =	simm.s32 $execute0_lowered;
	[smem:$0x3FD2] =	sst s25  }
0xa6: {  	s5 =	sshll.u32 s26, $0x1;
	_ =	strace $0x80000046;
	[dreg:$0x1] =	wrdreg $0xFFFFFFFF  }
0xa7: {  	s28 =	simm.s32 $_size_execute0_lowered;
	s3 =	sadd.s32 s3, s5;
	[dreg:$0x0] =	wrdreg $0x0  }
0xa8: {  	s5 =	sshll.u32 s28, $0x1;
	[dreg:$0x2] =	wrdreg s3  }
0xa9: {  	[dreg:$0x3] =	wrdreg s5  }
0xaa: {  	[dreg:$0x4] =	wrdreg $0xC0  }
0xab: {  	_ =	task [dreg:s7], $0x5FFFF  }
0xac: {  	[dreg:$0x1] =	wrdreg $0xFFFFFFFF  }
0xad: {  	[dreg:$0x0] =	wrdreg $0x60  }
0xae: {  	[dreg:$0x2] =	wrdreg s24  }
0xaf: {  	[dreg:$0x3] =	wrdreg s2  }
0xb0: {  	[dreg:$0x4] =	wrdreg $0x82000  }
0xb1: {  	[dreg:$0x5] =	wrdreg $0x9  }
0xb2: {  	_ =	task.clear_ibuf [dreg:s7], $0x6FFFF;
	_ =	strace $0x90000046  }
0xb3: {  	s29 =	simm.s32 $0x9;
	_ =	strace $0x80000048  }
0xb4: {  	_ =	swait.ge [sflag:s29], $0x1  }
0xb5: {  	[sflag:s29] =	ssyncadd.s32 $0xFFFFFFFF  }
0xb6: {  	_ =	strace $0x90000048  }
0xb7: {  	_ =	sfence  }
0xb8: {  	s30 =	sld [smem:$0x0];
	_ =	sdelay $0x2  }
0xb9: {  	s31 =	sshll.u32 s1, $0xD;
	s1 =	sshrl.u32 s1, $0x2  }
0xba: {  	s3 =	sand.u32 $0x4000, s31;
	s1 =	sadd.s32 s1, s30  }
0xbb: {  	s0 =	sor.u32 s3, s0;
	s1 =	sshll.u32 s1, $0x11  }
0xbc: {  	s0 =	sor.u32 s1, s0  }
0xbd: {  	s0 =	sadd.s32 $0x8F2B, s0  }
0xbe: {  	[sflag:s0] =	ssyncadd.remote.s32 $0x1  }
0xbf: {  	_ =	sfence.sel $0xFFFF  }
0xc0: {  	[dreg:$0x0] =	wrdreg $0xFFFFFFFF;
	(pc) =	sbr.abs _section_cstart, $3  }
0xc1: {  	[dreg:$0x1] =	wrdreg $0xFFFFFFFF  }
0xc2: {  	_ =	task.clear_ibuf [dreg:s7], $0x2FFFF;
	_ =	strace $0x9FFFFFFF  }
0xc3: {  	(tm) =	ssettm $0x7FFFFFFF  }
tec
execute0_lowered:
.L_overlay_start_1:
0x0: {  	(tag) =	ssettag $0x1  }
0x1: {  	s9 =	rddreg [dreg:$0x0]  }
0x2: {  	s1 =	rddreg [dreg:$0x1]  }
0x3: {  	s2 =	rddreg [dreg:$0x2]  }
0x4: {  	s0 =	rddreg [dreg:$0x3];
	s3 =	simm.s32 $0x0  }
0x5: {  	s4 =	srdreg.scid;
	s15 =	simm.s32 $0x200;
	s18 =	simm.s32 $0x180  }
0x6: {  	s19 =	simm.s32 $0x4200;
	s20 =	simm.s32 $0x1;
	s21 =	simm.s32 $0x100  }
0x7: {  	s22 =	simm.s32 $0x2;
	s23 =	simm.s32 $0x0;
	[smem:$0x7FF] =	sst s3  }
0x8: {  	s8 =	sand.u32 $0x1, s4;
	s4 =	stileid.u32;
	s5 =	sadd.s32 $0xD400, s9  }
0x9: {  	s6 =	sadd.s32 $0x2400, s9;
	s7 =	sadd.s32 $0x18400, s9;
	s10 =	smul.u32 $0x13C000, s8  }
0xa: {  	_ =	strace $0x80000047;
	s11 =	smul.u32 $0x13C00, s4;
	s12 =	sshll.u32 s8, $0x4  }
0xb: {  	s28 =	ssub.s32 $0x2, s8;
	s13 =	smul.u32 $0x4F000, s4;
	s16 =	sshll.u32 s4, $0x6  }
0xc: {  	s12 =	sor.u32 s4, s12;
	s29 =	sshrl.u32 s28, $0x1;
	s16 =	sor.u32 $0x1C03, s16  }
0xd: {  	s10 =	sadd.s32 s11, s10;
	s8 =	smul.u32 $0x2C00, s12;
	s12 =	ssub.s32 s28, s29  }
0xe: {  	s31 =	sshrl.u32 s13, $0x2;
	s13 =	simm.s32 $0x3;
	s10 =	sshrl.u32 s10, $0x3  }
0xf: {  	s17 =	sadd.s32 s31, s2;
	s12 =	smax.u32 s12, $0x1;
	s30 =	sshrl.u32 s8, $0x3  }
0x10: {  	s14 =	sadd.s32 s10, s9;
	s17 =	sshrl.u32 s17, $0x3;
	s9 =	sadd.s32 s5, s30  }
0x11: {  	s10 =	sadd.s32 s6, s30;
	s11 =	sadd.s32 $0x1AC00, s14;
	s14 =	simm.s32 $0x80  }
.LBB2_1:
0x12: {  	[tilespmem:s3], [sflag:$0x3] =	stream.linear.gather [hbm4b:s9+s3], $0x80, $0x38;
	[tilespmem:$0x1BE00] =	vst v63  }
0x13: {  	_ =	swait.ge [sflag:s13], $0x80  }
0x14: {  	[sflag:s13] =	ssyncset.done $0x0  }
0x15: {  	[sflag:s13] =	ssyncadd.s32 $0xFFFFFF80  }
0x16: {  	[tilespmem:s21], [sflag:$0x3] =	stream.linear.gather [hbm4b:s10+s3], $0x80, $0x38;
	[tilespmem:$0x1BE00] =	vst v63  }
0x17: {  	s24 =	simm.s32 $0x0;
	_ =	swait.ge [sflag:s13], $0x80  }
0x18: {  	s25 =	sand.u32 $0x3C00, s24;
	[sflag:s13] =	ssyncset.done $0x0  }
0x19: {  	s24 =	sand.u32 $0x300, s24;
	s25 =	sadd.s32 s8, s25;
	[sflag:s13] =	ssyncadd.s32 $0xFFFFFF80  }
0x1a: {  	[tilespmem:s15], [sflag:$0x1] =	stream.indirect.gather [hbm4b:s1+s14], $0x80, s3, s14, $0xb8;
	[tilespmem:$0x1BE00] =	vst v63  }
0x1b: {  	[spmem:s17], [sflag:s16] =	dma.local [hbm:s7], $0x2780  }
0x1c: {  	s24 =	sor.u32 s25, s24;
	_ =	swait.ge [sflag:s13], $0x2780  }
0x1d: {  	s24 =	sor.u32 $0x80, s24;
	[sflag:s13] =	ssyncset.done $0x0  }
0x1e: {  	s24 =	sshrl.u32 s24, $0x3;
	[sflag:s13] =	ssyncadd.s32 $0xFFFFD880  }
0x1f: {  	s26 =	sadd.s32 s5, s24;
	[bflag:$0x0] =	sbarrier.arrive $0xFFFF  }
0x20: {  	[tilespmem:s14], [sflag:$0x3] =	stream.linear.gather [hbm4b:s26+s3], $0x80, $0x38;
	[tilespmem:$0x1BE00] =	vst v63  }
0x21: {  	_ =	swait.ge [sflag:s13], $0x80  }
0x22: {  	[sflag:s13] =	ssyncset.done $0x0  }
0x23: {  	s24 =	sadd.s32 s6, s24;
	[sflag:s13] =	ssyncadd.s32 $0xFFFFFF80  }
0x24: {  	[tilespmem:s18], [sflag:$0x3] =	stream.linear.gather [hbm4b:s24+s3], $0x80, $0x38;
	[tilespmem:$0x1BE00] =	vst v63  }
0x25: {  	_ =	swait.ge [sflag:s13], $0x80  }
0x26: {  	[sflag:s13] =	ssyncset.done $0x0  }
0x27: {  	[sflag:s13] =	ssyncadd.s32 $0xFFFFFF80  }
0x28: {  	[tilespmem:s19], [sflag:$0x2] =	stream.indirect.gather [hbm4b:s1+s14], $0x80, s14, s14, $0xb8;
	[tilespmem:$0x1BE00] =	vst v63  }
0x29: {  	_ =	swait.ge [sflag:s20], $0x4000  }
0x2a: {  	s28 =	sand.u32 $0x7C00, s21;
	[sflag:s20] =	ssyncset.done $0x0  }
0x2b: {  	s29 =	sand.u32 $0x300, s21;
	s24 =	sadd.s32 s8, s28;
	[sflag:s20] =	ssyncadd.s32 $0xFFFFC000  }
0x2c: {  	[spmem:s2] =	stream.indirect.scatter.add.f32 [tilespmem:s15], [sflag:$0x3], $0x80, s21, s14, $0xb8;
	[tilespmem:$0x1BE00] =	vst v63  }
0x2d: {  	s24 =	sor.u32 s29, s24;
	_ =	swait.ge [sflag:s13], $0x4000  }
0x2e: {  	s24 =	sshrl.u32 s24, $0x3;
	[sflag:s13] =	ssyncset.done $0x0  }
0x2f: {  	s30 =	sadd.s32 s5, s24;
	[sflag:s13] =	ssyncadd.s32 $0xFFFFC000  }
0x30: {  	[tilespmem:s3], [sflag:$0x3] =	stream.linear.gather [hbm4b:s30+s3], $0x80, $0x38;
	[tilespmem:$0x1BE00] =	vst v63  }
0x31: {  	_ =	swait.ge [sflag:s13], $0x80  }
0x32: {  	[sflag:s13] =	ssyncset.done $0x0  }
0x33: {  	s24 =	sadd.s32 s6, s24;
	[sflag:s13] =	ssyncadd.s32 $0xFFFFFF80  }
0x34: {  	[tilespmem:s21], [sflag:$0x3] =	stream.linear.gather [hbm4b:s24+s3], $0x80, $0x38;
	[tilespmem:$0x1BE00] =	vst v63  }
0x35: {  	s31 =	simm.s32 $0x100;
	_ =	swait.ge [sflag:s13], $0x80  }
0x36: {  	s25 =	simm.s32 $0x300;
	s26 =	sand.u32 $0x3C00, s31;
	[sflag:s13] =	ssyncset.done $0x0  }
0x37: {  	s26 =	sadd.s32 s8, s26;
	s28 =	sand.u32 $0x300, s31;
	[sflag:s13] =	ssyncadd.s32 $0xFFFFFF80  }
0x38: {  	[tilespmem:s15], [sflag:$0x1] =	stream.indirect.gather [hbm4b:s1+s14], $0x80, s3, s14, $0xb8;
	[tilespmem:$0x1BE00] =	vst v63  }
0x39: {  	s26 =	sor.u32 s26, s28;
	s24 =	simm.s32 $0x200;
	_ =	swait.ge [sflag:s22], $0x4000  }
.LBB2_2:
0x3a: {  	p0 =	sne.s32 s25, $0x2800  }
0x3b: {  	[sflag:s22] =	ssyncset.done $0x0;
	s28 =	smov.u32 s25;
	s25 =	sadd.s32 $0x100, s25  }
0x3c: {  	[sflag:s22] =	ssyncadd.s32 $0xFFFFC000  }
0x3d: {  	[spmem:s2] =	stream.indirect.scatter.add.f32 [tilespmem:s19], [sflag:$0x3], $0x80, s18, s14, $0xb8;
	[tilespmem:$0x1BE00] =	vst v63  }
0x3e: {  	s26 =	sor.u32 $0x80, s26;
	_ =	swait.ge [sflag:s13], $0x4000  }
0x3f: {  	s26 =	sshrl.u32 s26, $0x3;
	[sflag:s13] =	ssyncset.done $0x0  }
0x40: {  	s29 =	sadd.s32 s5, s26;
	[sflag:s13] =	ssyncadd.s32 $0xFFFFC000  }
0x41: {  	[tilespmem:s14], [sflag:$0x3] =	stream.linear.gather [hbm4b:s29+s3], $0x80, $0x38;
	[tilespmem:$0x1BE00] =	vst v63  }
0x42: {  	_ =	swait.ge [sflag:s13], $0x80  }
0x43: {  	[sflag:s13] =	ssyncset.done $0x0  }
0x44: {  	s26 =	sadd.s32 s6, s26;
	[sflag:s13] =	ssyncadd.s32 $0xFFFFFF80  }
0x45: {  	[tilespmem:s18], [sflag:$0x3] =	stream.linear.gather [hbm4b:s26+s3], $0x80, $0x38;
	[tilespmem:$0x1BE00] =	vst v63  }
0x46: {  	_ =	swait.ge [sflag:s13], $0x80  }
0x47: {  	[sflag:s13] =	ssyncset.done $0x0  }
0x48: {  	[sflag:s13] =	ssyncadd.s32 $0xFFFFFF80  }
0x49: {  	[tilespmem:s19], [sflag:$0x2] =	stream.indirect.gather [hbm4b:s1+s14], $0x80, s14, s14, $0xb8;
	[tilespmem:$0x1BE00] =	vst v63  }
0x4a: {  	_ =	swait.ge [sflag:s20], $0x4000  }
0x4b: {  	[sflag:s20] =	ssyncset.done $0x0  }
0x4c: {  	s29 =	sand.u32 $0x300, s24;
	s26 =	sand.u32 $0x7C00, s24;
	[sflag:s20] =	ssyncadd.s32 $0xFFFFC000  }
0x4d: {  	[spmem:s2] =	stream.indirect.scatter.add.f32 [tilespmem:s15], [sflag:$0x3], $0x80, s21, s14, $0xb8;
	[tilespmem:$0x1BE00] =	vst v63  }
0x4e: {  	s24 =	smov.u32 s28;
	s26 =	sadd.s32 s8, s26;
	_ =	swait.ge [sflag:s13], $0x4000  }
0x4f: {  	s26 =	sor.u32 s29, s26;
	[sflag:s13] =	ssyncset.done $0x0  }
0x50: {  	s26 =	sshrl.u32 s26, $0x3;
	[sflag:s13] =	ssyncadd.s32 $0xFFFFC000  }
0x51: {  	s28 =	sadd.s32 s5, s26  }
0x52: {  	[tilespmem:s3], [sflag:$0x3] =	stream.linear.gather [hbm4b:s28+s3], $0x80, $0x38;
	[tilespmem:$0x1BE00] =	vst v63  }
0x53: {  	_ =	swait.ge [sflag:s13], $0x80  }
0x54: {  	s26 =	sadd.s32 s6, s26;
	[sflag:s13] =	ssyncset.done $0x0  }
0x55: {  	[sflag:s13] =	ssyncadd.s32 $0xFFFFFF80  }
0x56: {  	[tilespmem:s21], [sflag:$0x3] =	stream.linear.gather [hbm4b:s26+s3], $0x80, $0x38;
	[tilespmem:$0x1BE00] =	vst v63  }
.Ltmp0:
0x57: {  	s26 =	sadd.s32 $0xFFFFFF00, s24;
	_ =	swait.ge [sflag:s13], $0x80;
	(pc) =	sbr.rel @p0 .LBB2_2-.Ltmp0, $4  }
0x58: {  	s28 =	sand.u32 $0x3C00, s26;
	[sflag:s13] =	ssyncset.done $0x0  }
0x59: {  	s26 =	sand.u32 $0x300, s26;
	s28 =	sadd.s32 s8, s28;
	[sflag:s13] =	ssyncadd.s32 $0xFFFFFF80  }
0x5a: {  	[tilespmem:s15], [sflag:$0x1] =	stream.indirect.gather [hbm4b:s1+s14], $0x80, s3, s14, $0xb8;
	[tilespmem:$0x1BE00] =	vst v63  }
0x5b: {  	s26 =	sor.u32 s28, s26;
	_ =	swait.ge [sflag:s22], $0x4000  }
0x5c: {  	[sflag:s22] =	ssyncset.done $0x0  }
0x5d: {  	[sflag:s22] =	ssyncadd.s32 $0xFFFFC000  }
0x5e: {  	[spmem:s2] =	stream.indirect.scatter.add.f32 [tilespmem:s19], [sflag:$0x3], $0x80, s18, s14, $0xb8;
	[tilespmem:$0x1BE00] =	vst v63  }
0x5f: {  	s25 =	sor.u32 $0x80, s26;
	_ =	swait.ge [sflag:s13], $0x4000  }
0x60: {  	s25 =	sshrl.u32 s25, $0x3;
	[sflag:s13] =	ssyncset.done $0x0  }
0x61: {  	s28 =	sadd.s32 s5, s25;
	[sflag:s13] =	ssyncadd.s32 $0xFFFFC000  }
0x62: {  	[tilespmem:s14], [sflag:$0x3] =	stream.linear.gather [hbm4b:s28+s3], $0x80, $0x38;
	[tilespmem:$0x1BE00] =	vst v63  }
0x63: {  	_ =	swait.ge [sflag:s13], $0x80  }
0x64: {  	[sflag:s13] =	ssyncset.done $0x0  }
0x65: {  	s25 =	sadd.s32 s6, s25;
	[sflag:s13] =	ssyncadd.s32 $0xFFFFFF80  }
0x66: {  	[tilespmem:s18], [sflag:$0x3] =	stream.linear.gather [hbm4b:s25+s3], $0x80, $0x38;
	[tilespmem:$0x1BE00] =	vst v63  }
0x67: {  	_ =	swait.ge [sflag:s13], $0x80  }
0x68: {  	[sflag:s13] =	ssyncset.done $0x0  }
0x69: {  	[sflag:s13] =	ssyncadd.s32 $0xFFFFFF80  }
0x6a: {  	[tilespmem:s19], [sflag:$0x2] =	stream.indirect.gather [hbm4b:s1+s14], $0x80, s14, s14, $0xb8;
	[tilespmem:$0x1BE00] =	vst v63  }
0x6b: {  	_ =	swait.ge [sflag:s20], $0x4000  }
0x6c: {  	s29 =	sand.u32 $0x7C00, s24;
	[sflag:s20] =	ssyncset.done $0x0  }
0x6d: {  	s30 =	sand.u32 $0x300, s24;
	s25 =	sadd.s32 s8, s29;
	[sflag:s20] =	ssyncadd.s32 $0xFFFFC000  }
0x6e: {  	[spmem:s2] =	stream.indirect.scatter.add.f32 [tilespmem:s15], [sflag:$0x3], $0x80, s21, s14, $0xb8;
	[tilespmem:$0x1BE00] =	vst v63  }
0x6f: {  	s24 =	sor.u32 s30, s25;
	_ =	swait.ge [sflag:s13], $0x4000  }
0x70: {  	s24 =	sshrl.u32 s24, $0x3;
	[sflag:s13] =	ssyncset.done $0x0  }
0x71: {  	s31 =	sadd.s32 s5, s24;
	[sflag:s13] =	ssyncadd.s32 $0xFFFFC000  }
0x72: {  	[tilespmem:s3], [sflag:$0x3] =	stream.linear.gather [hbm4b:s31+s3], $0x80, $0x38;
	[tilespmem:$0x1BE00] =	vst v63  }
0x73: {  	_ =	swait.ge [sflag:s13], $0x80  }
0x74: {  	[sflag:s13] =	ssyncset.done $0x0  }
0x75: {  	s24 =	sadd.s32 s6, s24;
	[sflag:s13] =	ssyncadd.s32 $0xFFFFFF80  }
0x76: {  	[tilespmem:s21], [sflag:$0x3] =	stream.linear.gather [hbm4b:s24+s3], $0x80, $0x38;
	[tilespmem:$0x1BE00] =	vst v63  }
0x77: {  	_ =	swait.ge [sflag:s13], $0x80  }
0x78: {  	[sflag:s13] =	ssyncset.done $0x0  }
0x79: {  	[sflag:s13] =	ssyncadd.s32 $0xFFFFFF80  }
0x7a: {  	[tilespmem:s15], [sflag:$0x1] =	stream.indirect.gather [hbm4b:s1+s14], $0x80, s3, s14, $0xb8;
	[tilespmem:$0x1BE00] =	vst v63  }
0x7b: {  	_ =	swait.ge [sflag:s22], $0x4000  }
0x7c: {  	[sflag:s22] =	ssyncset.done $0x0  }
0x7d: {  	[sflag:s22] =	ssyncadd.s32 $0xFFFFC000  }
0x7e: {  	[spmem:s2] =	stream.indirect.scatter.add.f32 [tilespmem:s19], [sflag:$0x3], $0x80, s18, s14, $0xb8;
	[tilespmem:$0x1BE00] =	vst v63  }
0x7f: {  	_ =	swait.ge [sflag:s13], $0x4000  }
0x80: {  	[sflag:s13] =	ssyncset.done $0x0  }
0x81: {  	[sflag:s13] =	ssyncadd.s32 $0xFFFFC000  }
0x82: {  	_ =	swait.ge [sflag:s20], $0x4000  }
0x83: {  	s23 =	sadd.s32 $0x1, s23;
	[sflag:s20] =	ssyncset.done $0x0  }
0x84: {  	p0 =	sne.s32 s23, s12;
	[sflag:s20] =	ssyncadd.s32 $0xFFFFC000  }
.Ltmp1:
0x85: {  	[bflag:$0x0] =	sbarrier.arrive $0xFFFF;
	(pc) =	sbr.rel @p0 .LBB2_1-.Ltmp1, $4  }
0x86: {  	[hbm:s11], [sflag:s16] =	dma.local [spmem:s17], $0x2780  }
0x87: {  	_ =	swait.ge [sflag:s13], $0x2780  }
0x88: {  	[sflag:s13] =	ssyncset.done $0x0  }
0x89: {  	[sflag:s13] =	ssyncadd.s32 $0xFFFFD880  }
0x8a: {  	_ =	sfence.sel $0x180000  }
0x8b: {  	[bflag:$0x0] =	sbarrier.arrive $0xFFFF  }
0x8c: {  	p0 =	sne.s32 s4, $0x0;
	_ =	strace $0x90000047  }
0x8d: {  	s0 =	sadd.s32 @!p0 $0x100000, s0;
	[bflag:$0x2] =	sbarrier.arrive $0xFFFF  }
0x8e: {  	[sflag:s0] =	ssyncadd.tile.s32 @!p0 $0x1;
	_ =	shalt  }
.Lfunc_end2:
_tile_overlayer_lowered:
.L_overlay_start_2:
0x8f: {  	(tag) =	ssettag $0x2  }
0x90: {  	s0 =	rddreg [dreg:$0x0];
	s2 =	stileid.u32  }
0x91: {  	s1 =	rddreg [dreg:$0x1];
	p0 =	sne.s32 s2, $0x0  }
0x92: {  	s3 =	rddreg [dreg:$0x2];
	[bflag:$0x3] =	sbarrier.arrive $0xFFFF;
	s2 =	simm.s32 @!p0 $0x1C03  }
0x93: {  	[timem:s3], [sflag:s2] =	dma.local @!p0 [hbm:s0], s1  }
0x94: {  	s0 =	simm.s32 @!p0 $0x3  }
0x95: {  	_ =	swait.ge @!p0 [sflag:s0], s1  }
0x96: {  	s1 =	ssub.s32 @!p0 $0x0, s1;
	[sflag:s0] =	ssyncset.done @!p0 $0x0  }
0x97: {  	[sflag:s0] =	ssyncadd.s32 @!p0 s1  }
0x98: {  	[bflag:$0x3] =	sbarrier.arrive $0xFFFF  }
0x99: {  	_ =	shalt  }

</sc_bundles>
